<compile_context>
chip_gen: v7x
topology: tpu7x:2x2x1
jax: 0.10.2.dev20260603
libtpu: 0.0.44.dev20260713+nightly
codegen_flags: <defaults>
</compile_context>

<pallas_src>
import functools
import math

import jax
import jax.numpy as jnp
from jax import lax
from jax.experimental import pallas as pl
from jax.experimental.pallas import tpu as pltpu
from jax.experimental.pallas import tpu_sc as plsc

N = 4096
D = 128
C = 64
CD = 2 * D
DK = CD // 8

Q_BLK = 2048
N_BLKS = N // Q_BLK
LOG2E = 1.4426950408889634

_F32 = jnp.float32
_BF16 = jnp.bfloat16


def _nt(a, b):
    return lax.dot_general(a, b, (((1,), (1,)), ((), ())),
                           preferred_element_type=_F32)


def _nt16(a, b):
    return lax.dot_general(a.astype(_BF16), b.astype(_BF16),
                           (((1,), (1,)), ((), ())),
                           preferred_element_type=_F32)


def _tn(a, b):
    return lax.dot_general(a, b, (((0,), (0,)), ((), ())),
                           preferred_element_type=_F32)


def _mm(a, b):
    return jnp.dot(a, b, preferred_element_type=_F32)


def _mm16(a, b):
    return jnp.dot(a.astype(_BF16), b.astype(_BF16),
                   preferred_element_type=_F32)


def _body(x_ref, h_ref, wq_ref, bq_ref, wk_ref, bk_ref, wv_ref, bv_ref,
          w1_ref, b1_ref, w2_ref, b2_ref, lab_ref, ch_ref,
          wih_ref, whh_ref, bih_ref, bhh_ref, wp_ref, bp_ref,
          nh_ref, uch_ref, proj_ref, k_scr, v_scr):
    i = pl.program_id(0)

    @pl.when(i == 0)
    def _kv_init():
        cf = jnp.concatenate([x_ref[...], h_ref[...]], axis=1)
        k_scr[...] = (_nt16(cf, wk_ref[...]) + bk_ref[...]).astype(_BF16)
        v_scr[...] = (_nt16(cf, wv_ref[...]) + bv_ref[...]).astype(_BF16)

    @pl.when(i < N_BLKS)
    def _attn():
        r0 = pl.multiple_of(i * Q_BLK, Q_BLK)
        xb = x_ref[pl.ds(r0, Q_BLK), :]
        hb = h_ref[pl.ds(r0, Q_BLK), :]
        c = jnp.concatenate([xb, hb], axis=1)
        q = (_nt16(c, wq_ref[...]) + bq_ref[...]) * (LOG2E / math.sqrt(DK))
        s = _nt16(q, k_scr[...])
        s = jnp.maximum(s, 0.2 * s)
        e = jnp.exp2(s)
        hp = _mm16(e, v_scr[...]) * (1.0 / jnp.sum(e, axis=1, keepdims=True))
        t = jnp.maximum(_nt16(hp, w1_ref[...]) + b1_ref[...], 0.0)
        mlp = _nt16(t, w2_ref[...]) + b2_ref[...]
        nh_ref[pl.ds(r0, Q_BLK), :] = mlp[:, D:] + hb

    @pl.when(i == N_BLKS)
    def _cluster():
        nh = nh_ref[...]
        lab = lab_ref[...]
        onehot = (lab == lax.broadcasted_iota(jnp.int32, (N, C), 1)
                  ).astype(_F32)
        ones = jnp.ones((N, 1), _F32)
        cnt = _tn(onehot, ones)
        seg = _tn(onehot, nh)
        agg = seg / jnp.maximum(cnt, 1.0)
        ch = ch_ref[...]
        gi = _nt(agg, wih_ref[...]) + bih_ref[...]
        gh = _nt(ch, whh_ref[...]) + bhh_ref[...]
        r = jax.nn.sigmoid(gi[:, :D] + gh[:, :D])
        z = jax.nn.sigmoid(gi[:, D:2 * D] + gh[:, D:2 * D])
        nn = jnp.tanh(gi[:, 2 * D:] + r * gh[:, 2 * D:])
        uch = (1.0 - z) * nn + z * ch
        uch_ref[...] = uch
        proj_ref[...] = _nt(uch, wp_ref[...]) + bp_ref[...]



_NW = 32
_RW = N // _NW


def _sc_gather_body(nh_hbm, lab_hbm, proj_hbm, uh_hbm,
                    idx_v, rows_v, nhb_v, sem):
    wid = lax.axis_index("s") * 2 + lax.axis_index("c")
    base = wid * _RW
    pltpu.sync_copy(lab_hbm.at[pl.ds(base, _RW)], idx_v)
    cp = pltpu.async_copy(proj_hbm.at[idx_v], rows_v, sem)
    pltpu.sync_copy(nh_hbm.at[pl.ds(base, _RW), :], nhb_v)
    cp.wait()

    def _row(r, carry):
        for j in range(D // 16):
            sl = pl.ds(j * 16, 16)
            rows_v[r, sl] += nhb_v[r, sl]
        return carry

    lax.fori_loop(0, _RW, _row, 0)
    pltpu.sync_copy(rows_v, uh_hbm.at[pl.ds(base, _RW), :])


_sc_gather = functools.partial(
    pl.kernel,
    mesh=plsc.VectorSubcoreMesh(core_axis_name="c", subcore_axis_name="s"),
    out_type=jax.ShapeDtypeStruct((N, D), _F32),
    scratch_types=[
        pltpu.VMEM((_RW,), jnp.int32),
        pltpu.VMEM((_RW, D), _F32),
        pltpu.VMEM((_RW, D), _F32),
        pltpu.SemaphoreType.DMA,
    ],
)(_sc_gather_body)


def kernel(x, h, cluster_h, query_vectors, Wq, bq, Wk, bk, Wv, bv,
           W1, b1, W2, b2, Wih, Whh, bih, bhh, Wp, bp,
           cluster_labels, nodes_ind, edge_index_intra, num_clusters):
    f32 = _F32
    bq2, bk2, bv2 = bq.reshape(1, -1), bk.reshape(1, -1), bv.reshape(1, -1)
    b12, b22 = b1.reshape(1, -1), b2.reshape(1, -1)
    bih2, bhh2, bp2 = bih.reshape(1, -1), bhh.reshape(1, -1), bp.reshape(1, -1)
    lab2 = cluster_labels.reshape(-1, 1)

    full = lambda shape: pl.BlockSpec(shape, lambda i: tuple(0 for _ in shape))

    node_h, updated_cluster_h, proj = pl.pallas_call(
        _body,
        grid=(N_BLKS + 1,),
        in_specs=[
            full((N, D)), full((N, D)),
            full((DK, CD)), full((1, DK)),
            full((DK, CD)), full((1, DK)),
            full((CD, CD)), full((1, CD)),
            full((CD, CD)), full((1, CD)),
            full((CD, CD)), full((1, CD)),
            full((N, 1)), full((C, D)),
            full((3 * D, D)), full((3 * D, D)),
            full((1, 3 * D)), full((1, 3 * D)),
            full((D, D)), full((1, D)),
        ],
        out_specs=[full((N, D)), full((C, D)), full((C, D))],
        out_shape=[
            jax.ShapeDtypeStruct((N, D), f32),
            jax.ShapeDtypeStruct((C, D), f32),
            jax.ShapeDtypeStruct((C, D), f32),
        ],
        scratch_shapes=[
            pltpu.VMEM((N, DK), _BF16),
            pltpu.VMEM((N, CD), _BF16),
        ],
    )(x, h, Wq, bq2, Wk, bk2, Wv, bv2, W1, b12, W2, b22, lab2, cluster_h,
      Wih, Whh, bih2, bhh2, Wp, bp2)

    updated_h = _sc_gather(node_h, cluster_labels, proj)
    return updated_h, updated_cluster_h

# --- scband reference (transcript-rebuilt; emitter-appended) ---
"""Pipeline reference for scband-cluster-based-vsdgatrnn-53523882442790 (READ-ONLY COPY).

The authoritative reference and input builder live on the scoring server;
editing this copy changes nothing except your own understanding.
"""

import jax, jax.numpy as jnp
import numpy as np

N = 4096
D = 128
C = 64
QVD = 32
E = 65536
CD = 2 * D
DK = CD // 8


def setup_inputs(seed: int = 0) -> dict:
    key = jax.random.key(seed)
    ks = jax.random.split(key, 24)
    s = 0.02
    inp = {}
    inp["x"] = jax.random.normal(ks[0], (N, D), jnp.float32)
    inp["h"] = jax.random.normal(ks[1], (N, D), jnp.float32)
    inp["cluster_h"] = jax.random.normal(ks[2], (C, D), jnp.float32)
    inp["query_vectors"] = jax.random.normal(ks[3], (C, QVD), jnp.float32)
    # single-head attention projections (num_heads=1)
    inp["Wq"] = jax.random.normal(ks[4], (DK, CD), jnp.float32) * s
    inp["bq"] = jnp.zeros((DK,), jnp.float32)
    inp["Wk"] = jax.random.normal(ks[5], (DK, CD), jnp.float32) * s
    inp["bk"] = jnp.zeros((DK,), jnp.float32)
    inp["Wv"] = jax.random.normal(ks[6], (CD, CD), jnp.float32) * s
    inp["bv"] = jnp.zeros((CD,), jnp.float32)
    # interAttentionMLP: MLP(num_heads*combined_dim, combined_dim, combined_dim)
    inp["W1"] = jax.random.normal(ks[7], (CD, CD), jnp.float32) * s
    inp["b1"] = jnp.zeros((CD,), jnp.float32)
    inp["W2"] = jax.random.normal(ks[8], (CD, CD), jnp.float32) * s
    inp["b2"] = jnp.zeros((CD,), jnp.float32)
    # cluster GRUCell(input_size, input_size)
    inp["Wih"] = jax.random.normal(ks[9], (3 * D, D), jnp.float32) * s
    inp["Whh"] = jax.random.normal(ks[10], (3 * D, D), jnp.float32) * s
    inp["bih"] = jnp.zeros((3 * D,), jnp.float32)
    inp["bhh"] = jnp.zeros((3 * D,), jnp.float32)
    # cluster_to_node_proj (xavier-normal gain 0.1 in torch; small scale here)
    inp["Wp"] = jax.random.normal(ks[11], (D, D), jnp.float32) * (0.1 * s)
    inp["bp"] = jnp.zeros((D,), jnp.float32)
    inp["cluster_labels"] = jax.random.randint(ks[12], (N,), 0, C, dtype=jnp.int32)
    inp["nodes_ind"] = jnp.arange(N, dtype=jnp.int32)
    inp["edge_index_intra"] = jax.random.randint(ks[13], (2, E), 0, N, dtype=jnp.int32)
    inp["num_clusters"] = C
    return inp


def reference(x, h, cluster_h, query_vectors, Wq, bq, Wk, bk, Wv, bv, W1, b1, W2, b2,
              Wih, Whh, bih, bhh, Wp, bp, cluster_labels, nodes_ind, edge_index_intra,
              num_clusters):
    combined = jnp.concatenate([x, h], axis=-1)  # [N, 2D]
    # single attention head over all nodes (dense)
    q = combined @ Wq.T + bq
    k = combined @ Wk.T + bk
    v = combined @ Wv.T + bv
    scores = (q @ k.T) / jnp.sqrt(jnp.float32(q.shape[-1]))
    scores = jax.nn.leaky_relu(scores, 0.2)
    attn = jax.nn.softmax(scores, axis=-1)
    h_prime = attn @ v  # [N, 2D]
    # interAttentionMLP (num_heads=1 so reshape is identity)
    mlp_out = jax.nn.relu(h_prime @ W1.T + b1) @ W2.T + b2
    node_repr = mlp_out + combined  # skip connection, [N, 2D]
    # aggregate per-cluster features (segment mean of hidden-state half)
    node_h = node_repr[:, D:]  # [N, D]
    ones = jnp.ones((node_h.shape[0],), jnp.float32)
    nseg = cluster_h.shape[0]
    cnt = jax.ops.segment_sum(ones, cluster_labels, num_segments=nseg)
    cnt = cnt + 0.0 * (num_clusters - nseg)
    agg = jax.ops.segment_sum(node_h, cluster_labels, num_segments=nseg)
    agg = agg / jnp.clip(cnt, 1.0)[:, None]
    # cluster GRU update
    gi = agg @ Wih.T + bih
    gh = cluster_h @ Whh.T + bhh
    i_r, i_z, i_n = jnp.split(gi, 3, axis=-1)
    h_r, h_z, h_n = jnp.split(gh, 3, axis=-1)
    r = jax.nn.sigmoid(i_r + h_r)
    z = jax.nn.sigmoid(i_z + h_z)
    n = jnp.tanh(i_n + r * h_n)
    updated_cluster_h = (1.0 - z) * n + z * cluster_h  # [C, D]
    # cluster-to-node projection gathered back by cluster label
    proj = updated_cluster_h @ Wp.T + bp
    updated_h = node_h + proj[cluster_labels]  # [N, D]
    return (updated_h, updated_cluster_h)

if __name__ == "__main__":
    import jax
    _d = setup_inputs()
    print(jax.jit(kernel)(*tuple(_d.values())))

</pallas_src>

<mosaic_0001>
#map = affine_map<(d0, d1) -> (0, 0)>
#map1 = affine_map<(d0, d1) -> (0)>
module attributes {stable_mosaic.version = 14 : i64} {
  func.func @_sc_gather_body(%arg0: i32, %arg1: i32, %arg2: memref<4096x128xf32, #tpu.memory_space<hbm>>, %arg3: memref<4096xi32, #tpu.memory_space<hbm>>, %arg4: memref<64x128xf32, #tpu.memory_space<hbm>>, %arg5: memref<4096x128xf32, #tpu.memory_space<hbm>>, %arg6: memref<128xi32, #tpu.memory_space<vmem>>, %arg7: memref<128x128xf32, #tpu.memory_space<vmem>>, %arg8: memref<128x128xf32, #tpu.memory_space<vmem>>, %arg9: memref<!tpu.dma_semaphore, #tpu.memory_space<semaphore_mem>>) attributes {dimension_semantics = [#tpu.dimension_semantics<core_parallel>, #tpu.dimension_semantics<subcore_parallel>], iteration_bounds = array<i64: 2, 16>, scalar_prefetch = 0 : i64, scratch_operands = 4 : i64, tpu.core_type = #tpu.core_type<sc_vector_subcore>, window_params = [{transform_indices = #map}, {transform_indices = #map1}, {transform_indices = #map}, {transform_indices = #map}]} {
    %mul3A = arith.constant 2 : i32
    %mul3A_0 = arith.muli %arg1, %mul3A : i32
    %add3A = arith.addi %mul3A_0, %arg0 : i32
    %mul3A_1 = arith.constant 128 : i32
    %mul3A_2 = arith.muli %add3A, %mul3A_1 : i32
    "tpu.region"() ({
      %run_scoped3A = tpu.sem_alloc : memref<!tpu.dma_semaphore, #tpu.memory_space<semaphore_mem>>
      %dma_start3A_12 = tpu.memref_slice %arg3[%mul3A_2] : memref<4096xi32, #tpu.memory_space<hbm>> -> memref<128xi32, #tpu.memory_space<hbm>>
      %dma_start3A_13 = tpu.memref_slice %arg3[%mul3A_2] : memref<4096xi32, #tpu.memory_space<hbm>> -> memref<128xi32, #tpu.memory_space<hbm>>
      tpu.enqueue_dma source(%dma_start3A_13 : memref<128xi32, #tpu.memory_space<hbm>>) target(%arg6 : memref<128xi32, #tpu.memory_space<vmem>>) target_semaphore(%run_scoped3A : memref<!tpu.dma_semaphore, #tpu.memory_space<semaphore_mem>>)
      %dma_wait3A_14 = tpu.memref_slice %arg3[%mul3A_2] : memref<4096xi32, #tpu.memory_space<hbm>> -> memref<128xi32, #tpu.memory_space<hbm>>
      %dma_wait3A_15 = tpu.memref_slice %arg3[%mul3A_2] : memref<4096xi32, #tpu.memory_space<hbm>> -> memref<128xi32, #tpu.memory_space<hbm>>
      tpu.wait_dma2 semaphore(%run_scoped3A : memref<!tpu.dma_semaphore, #tpu.memory_space<semaphore_mem>>) src(%dma_wait3A_15 : memref<128xi32, #tpu.memory_space<hbm>>) dst(%arg6 : memref<128xi32, #tpu.memory_space<vmem>>)
      tpu.yield
    }) : () -> ()
    %dma_start3A = arith.constant 0 : i32
    %dma_start3A_3 = arith.constant 0 : i32
    %dma_start3A_4 = tpu.memref_slice %arg4[%dma_start3A, %dma_start3A_3] : memref<64x128xf32, #tpu.memory_space<hbm>> -> memref<64x128xf32, #tpu.memory_space<hbm>>
    tpu.enqueue_indirect_dma source(%dma_start3A_4 : memref<64x128xf32, #tpu.memory_space<hbm>>) target(%arg7 : memref<128x128xf32, #tpu.memory_space<vmem>>) offsets(%arg6 : memref<128xi32, #tpu.memory_space<vmem>>) semaphore(%arg9 : memref<!tpu.dma_semaphore, #tpu.memory_space<semaphore_mem>>)
    "tpu.region"() ({
      %run_scoped3A = tpu.sem_alloc : memref<!tpu.dma_semaphore, #tpu.memory_space<semaphore_mem>>
      %dma_start3A_12 = arith.constant 0 : i32
      %dma_start3A_13 = tpu.memref_slice %arg2[%mul3A_2, %dma_start3A_12] : memref<4096x128xf32, #tpu.memory_space<hbm>> -> memref<128x128xf32, #tpu.memory_space<hbm>>
      %dma_start3A_14 = arith.constant 0 : i32
      %dma_start3A_15 = tpu.memref_slice %arg2[%mul3A_2, %dma_start3A_14] : memref<4096x128xf32, #tpu.memory_space<hbm>> -> memref<128x128xf32, #tpu.memory_space<hbm>>
      tpu.enqueue_dma source(%dma_start3A_15 : memref<128x128xf32, #tpu.memory_space<hbm>>) target(%arg8 : memref<128x128xf32, #tpu.memory_space<vmem>>) target_semaphore(%run_scoped3A : memref<!tpu.dma_semaphore, #tpu.memory_space<semaphore_mem>>)
      %dma_wait3A_16 = arith.constant 0 : i32
      %dma_wait3A_17 = tpu.memref_slice %arg2[%mul3A_2, %dma_wait3A_16] : memref<4096x128xf32, #tpu.memory_space<hbm>> -> memref<128x128xf32, #tpu.memory_space<hbm>>
      %dma_wait3A_18 = arith.constant 0 : i32
      %dma_wait3A_19 = tpu.memref_slice %arg2[%mul3A_2, %dma_wait3A_18] : memref<4096x128xf32, #tpu.memory_space<hbm>> -> memref<128x128xf32, #tpu.memory_space<hbm>>
      tpu.wait_dma2 semaphore(%run_scoped3A : memref<!tpu.dma_semaphore, #tpu.memory_space<semaphore_mem>>) src(%dma_wait3A_19 : memref<128x128xf32, #tpu.memory_space<hbm>>) dst(%arg8 : memref<128x128xf32, #tpu.memory_space<vmem>>)
      tpu.yield
    }) : () -> ()
    %dma_wait3A = arith.constant 0 : i32
    %dma_wait3A_5 = arith.constant 0 : i32
    %dma_wait3A_6 = tpu.memref_slice %arg4[%dma_wait3A, %dma_wait3A_5] : memref<64x128xf32, #tpu.memory_space<hbm>> -> memref<64x128xf32, #tpu.memory_space<hbm>>
    tpu.wait_indirect_dma semaphore(%arg9 : memref<!tpu.dma_semaphore, #tpu.memory_space<semaphore_mem>>) src(%dma_wait3A_6 : memref<64x128xf32, #tpu.memory_space<hbm>>) dst(%arg7 : memref<128x128xf32, #tpu.memory_space<vmem>>)
    %scan3A = arith.constant 0 : i32
    %scan3A_7 = arith.constant 0 : i32
    %scan3A_8 = arith.constant 128 : i32
    %scan3A_9 = arith.addi %scan3A_7, %scan3A_8 : i32
    %scan3A_10 = arith.constant 1 : i32
    scf.for %scan3A_12 = %scan3A_7 to %scan3A_9 step %scan3A_10  : i32 {
      %get3A = arith.index_cast %scan3A_12 : i32 to index
      %get3A_13 = arith.constant 0 : index
      %get3A_14 = tpu.vector_load %arg7[%get3A, %get3A_13] {strides = array<i32>} : memref<128x128xf32, #tpu.memory_space<vmem>>, vector<1x16xf32>,
      %get3A_15 = vector.shape_cast %get3A_14 : vector<1x16xf32> to vector<16xf32>
      %get3A_16 = arith.index_cast %scan3A_12 : i32 to index
      %get3A_17 = arith.constant 0 : index
      %get3A_18 = tpu.vector_load %arg8[%get3A_16, %get3A_17] {strides = array<i32>} : memref<128x128xf32, #tpu.memory_space<vmem>>, vector<1x16xf32>,
      %get3A_19 = vector.shape_cast %get3A_18 : vector<1x16xf32> to vector<16xf32>
      %add3A_20 = arith.addf %get3A_15, %get3A_19 : vector<16xf32>
      %swap3A = arith.index_cast %scan3A_12 : i32 to index
      %swap3A_21 = arith.constant 0 : index
      %swap3A_22 = tpu.vector_load %arg7[%swap3A, %swap3A_21] {strides = array<i32>} : memref<128x128xf32, #tpu.memory_space<vmem>>, vector<1x16xf32>,
      %swap3A_23 = vector.shape_cast %swap3A_22 : vector<1x16xf32> to vector<16xf32>
      %swap3A_24 = vector.shape_cast %add3A_20 : vector<16xf32> to vector<1x16xf32>
      tpu.vector_store %arg7[%swap3A, %swap3A_21], %swap3A_24 {strides = array<i32>} : memref<128x128xf32, #tpu.memory_space<vmem>>, vector<1x16xf32>,
      %get3A_25 = arith.index_cast %scan3A_12 : i32 to index
      %get3A_26 = arith.constant 16 : index
      %get3A_27 = tpu.vector_load %arg7[%get3A_25, %get3A_26] {strides = array<i32>} : memref<128x128xf32, #tpu.memory_space<vmem>>, vector<1x16xf32>,
      %get3A_28 = vector.shape_cast %get3A_27 : vector<1x16xf32> to vector<16xf32>
      %get3A_29 = arith.index_cast %scan3A_12 : i32 to index
      %get3A_30 = arith.constant 16 : index
      %get3A_31 = tpu.vector_load %arg8[%get3A_29, %get3A_30] {strides = array<i32>} : memref<128x128xf32, #tpu.memory_space<vmem>>, vector<1x16xf32>,
      %get3A_32 = vector.shape_cast %get3A_31 : vector<1x16xf32> to vector<16xf32>
      %add3A_33 = arith.addf %get3A_28, %get3A_32 : vector<16xf32>
      %swap3A_34 = arith.index_cast %scan3A_12 : i32 to index
      %swap3A_35 = arith.constant 16 : index
      %swap3A_36 = tpu.vector_load %arg7[%swap3A_34, %swap3A_35] {strides = array<i32>} : memref<128x128xf32, #tpu.memory_space<vmem>>, vector<1x16xf32>,
      %swap3A_37 = vector.shape_cast %swap3A_36 : vector<1x16xf32> to vector<16xf32>
      %swap3A_38 = vector.shape_cast %add3A_33 : vector<16xf32> to vector<1x16xf32>
      tpu.vector_store %arg7[%swap3A_34, %swap3A_35], %swap3A_38 {strides = array<i32>} : memref<128x128xf32, #tpu.memory_space<vmem>>, vector<1x16xf32>,
      %get3A_39 = arith.index_cast %scan3A_12 : i32 to index
      %get3A_40 = arith.constant 32 : index
      %get3A_41 = tpu.vector_load %arg7[%get3A_39, %get3A_40] {strides = array<i32>} : memref<128x128xf32, #tpu.memory_space<vmem>>, vector<1x16xf32>,
      %get3A_42 = vector.shape_cast %get3A_41 : vector<1x16xf32> to vector<16xf32>
      %get3A_43 = arith.index_cast %scan3A_12 : i32 to index
      %get3A_44 = arith.constant 32 : index
      %get3A_45 = tpu.vector_load %arg8[%get3A_43, %get3A_44] {strides = array<i32>} : memref<128x128xf32, #tpu.memory_space<vmem>>, vector<1x16xf32>,
      %get3A_46 = vector.shape_cast %get3A_45 : vector<1x16xf32> to vector<16xf32>
      %add3A_47 = arith.addf %get3A_42, %get3A_46 : vector<16xf32>
      %swap3A_48 = arith.index_cast %scan3A_12 : i32 to index
      %swap3A_49 = arith.constant 32 : index
      %swap3A_50 = tpu.vector_load %arg7[%swap3A_48, %swap3A_49] {strides = array<i32>} : memref<128x128xf32, #tpu.memory_space<vmem>>, vector<1x16xf32>,
      %swap3A_51 = vector.shape_cast %swap3A_50 : vector<1x16xf32> to vector<16xf32>
      %swap3A_52 = vector.shape_cast %add3A_47 : vector<16xf32> to vector<1x16xf32>
      tpu.vector_store %arg7[%swap3A_48, %swap3A_49], %swap3A_52 {strides = array<i32>} : memref<128x128xf32, #tpu.memory_space<vmem>>, vector<1x16xf32>,
      %get3A_53 = arith.index_cast %scan3A_12 : i32 to index
      %get3A_54 = arith.constant 48 : index
      %get3A_55 = tpu.vector_load %arg7[%get3A_53, %get3A_54] {strides = array<i32>} : memref<128x128xf32, #tpu.memory_space<vmem>>, vector<1x16xf32>,
      %get3A_56 = vector.shape_cast %get3A_55 : vector<1x16xf32> to vector<16xf32>
      %get3A_57 = arith.index_cast %scan3A_12 : i32 to index
      %get3A_58 = arith.constant 48 : index
      %get3A_59 = tpu.vector_load %arg8[%get3A_57, %get3A_58] {strides = array<i32>} : memref<128x128xf32, #tpu.memory_space<vmem>>, vector<1x16xf32>,
      %get3A_60 = vector.shape_cast %get3A_59 : vector<1x16xf32> to vector<16xf32>
      %add3A_61 = arith.addf %get3A_56, %get3A_60 : vector<16xf32>
      %swap3A_62 = arith.index_cast %scan3A_12 : i32 to index
      %swap3A_63 = arith.constant 48 : index
      %swap3A_64 = tpu.vector_load %arg7[%swap3A_62, %swap3A_63] {strides = array<i32>} : memref<128x128xf32, #tpu.memory_space<vmem>>, vector<1x16xf32>,
      %swap3A_65 = vector.shape_cast %swap3A_64 : vector<1x16xf32> to vector<16xf32>
      %swap3A_66 = vector.shape_cast %add3A_61 : vector<16xf32> to vector<1x16xf32>
      tpu.vector_store %arg7[%swap3A_62, %swap3A_63], %swap3A_66 {strides = array<i32>} : memref<128x128xf32, #tpu.memory_space<vmem>>, vector<1x16xf32>,
      %get3A_67 = arith.index_cast %scan3A_12 : i32 to index
      %get3A_68 = arith.constant 64 : index
      %get3A_69 = tpu.vector_load %arg7[%get3A_67, %get3A_68] {strides = array<i32>} : memref<128x128xf32, #tpu.memory_space<vmem>>, vector<1x16xf32>,
      %get3A_70 = vector.shape_cast %get3A_69 : vector<1x16xf32> to vector<16xf32>
      %get3A_71 = arith.index_cast %scan3A_12 : i32 to index
      %get3A_72 = arith.constant 64 : index
      %get3A_73 = tpu.vector_load %arg8[%get3A_71, %get3A_72] {strides = array<i32>} : memref<128x128xf32, #tpu.memory_space<vmem>>, vector<1x16xf32>,
      %get3A_74 = vector.shape_cast %get3A_73 : vector<1x16xf32> to vector<16xf32>
      %add3A_75 = arith.addf %get3A_70, %get3A_74 : vector<16xf32>
      %swap3A_76 = arith.index_cast %scan3A_12 : i32 to index
      %swap3A_77 = arith.constant 64 : index
      %swap3A_78 = tpu.vector_load %arg7[%swap3A_76, %swap3A_77] {strides = array<i32>} : memref<128x128xf32, #tpu.memory_space<vmem>>, vector<1x16xf32>,
      %swap3A_79 = vector.shape_cast %swap3A_78 : vector<1x16xf32> to vector<16xf32>
      %swap3A_80 = vector.shape_cast %add3A_75 : vector<16xf32> to vector<1x16xf32>
      tpu.vector_store %arg7[%swap3A_76, %swap3A_77], %swap3A_80 {strides = array<i32>} : memref<128x128xf32, #tpu.memory_space<vmem>>, vector<1x16xf32>,
      %get3A_81 = arith.index_cast %scan3A_12 : i32 to index
      %get3A_82 = arith.constant 80 : index
      %get3A_83 = tpu.vector_load %arg7[%get3A_81, %get3A_82] {strides = array<i32>} : memref<128x128xf32, #tpu.memory_space<vmem>>, vector<1x16xf32>,
      %get3A_84 = vector.shape_cast %get3A_83 : vector<1x16xf32> to vector<16xf32>
      %get3A_85 = arith.index_cast %scan3A_12 : i32 to index
      %get3A_86 = arith.constant 80 : index
      %get3A_87 = tpu.vector_load %arg8[%get3A_85, %get3A_86] {strides = array<i32>} : memref<128x128xf32, #tpu.memory_space<vmem>>, vector<1x16xf32>,
      %get3A_88 = vector.shape_cast %get3A_87 : vector<1x16xf32> to vector<16xf32>
      %add3A_89 = arith.addf %get3A_84, %get3A_88 : vector<16xf32>
      %swap3A_90 = arith.index_cast %scan3A_12 : i32 to index
      %swap3A_91 = arith.constant 80 : index
      %swap3A_92 = tpu.vector_load %arg7[%swap3A_90, %swap3A_91] {strides = array<i32>} : memref<128x128xf32, #tpu.memory_space<vmem>>, vector<1x16xf32>,
      %swap3A_93 = vector.shape_cast %swap3A_92 : vector<1x16xf32> to vector<16xf32>
      %swap3A_94 = vector.shape_cast %add3A_89 : vector<16xf32> to vector<1x16xf32>
      tpu.vector_store %arg7[%swap3A_90, %swap3A_91], %swap3A_94 {strides = array<i32>} : memref<128x128xf32, #tpu.memory_space<vmem>>, vector<1x16xf32>,
      %get3A_95 = arith.index_cast %scan3A_12 : i32 to index
      %get3A_96 = arith.constant 96 : index
      %get3A_97 = tpu.vector_load %arg7[%get3A_95, %get3A_96] {strides = array<i32>} : memref<128x128xf32, #tpu.memory_space<vmem>>, vector<1x16xf32>,
      %get3A_98 = vector.shape_cast %get3A_97 : vector<1x16xf32> to vector<16xf32>
      %get3A_99 = arith.index_cast %scan3A_12 : i32 to index
      %get3A_100 = arith.constant 96 : index
      %get3A_101 = tpu.vector_load %arg8[%get3A_99, %get3A_100] {strides = array<i32>} : memref<128x128xf32, #tpu.memory_space<vmem>>, vector<1x16xf32>,
      %get3A_102 = vector.shape_cast %get3A_101 : vector<1x16xf32> to vector<16xf32>
      %add3A_103 = arith.addf %get3A_98, %get3A_102 : vector<16xf32>
      %swap3A_104 = arith.index_cast %scan3A_12 : i32 to index
      %swap3A_105 = arith.constant 96 : index
      %swap3A_106 = tpu.vector_load %arg7[%swap3A_104, %swap3A_105] {strides = array<i32>} : memref<128x128xf32, #tpu.memory_space<vmem>>, vector<1x16xf32>,
      %swap3A_107 = vector.shape_cast %swap3A_106 : vector<1x16xf32> to vector<16xf32>
      %swap3A_108 = vector.shape_cast %add3A_103 : vector<16xf32> to vector<1x16xf32>
      tpu.vector_store %arg7[%swap3A_104, %swap3A_105], %swap3A_108 {strides = array<i32>} : memref<128x128xf32, #tpu.memory_space<vmem>>, vector<1x16xf32>,
      %get3A_109 = arith.index_cast %scan3A_12 : i32 to index
      %get3A_110 = arith.constant 112 : index
      %get3A_111 = tpu.vector_load %arg7[%get3A_109, %get3A_110] {strides = array<i32>} : memref<128x128xf32, #tpu.memory_space<vmem>>, vector<1x16xf32>,
      %get3A_112 = vector.shape_cast %get3A_111 : vector<1x16xf32> to vector<16xf32>
      %get3A_113 = arith.index_cast %scan3A_12 : i32 to index
      %get3A_114 = arith.constant 112 : index
      %get3A_115 = tpu.vector_load %arg8[%get3A_113, %get3A_114] {strides = array<i32>} : memref<128x128xf32, #tpu.memory_space<vmem>>, vector<1x16xf32>,
      %get3A_116 = vector.shape_cast %get3A_115 : vector<1x16xf32> to vector<16xf32>
      %add3A_117 = arith.addf %get3A_112, %get3A_116 : vector<16xf32>
      %swap3A_118 = arith.index_cast %scan3A_12 : i32 to index
      %swap3A_119 = arith.constant 112 : index
      %swap3A_120 = tpu.vector_load %arg7[%swap3A_118, %swap3A_119] {strides = array<i32>} : memref<128x128xf32, #tpu.memory_space<vmem>>, vector<1x16xf32>,
      %swap3A_121 = vector.shape_cast %swap3A_120 : vector<1x16xf32> to vector<16xf32>
      %swap3A_122 = vector.shape_cast %add3A_117 : vector<16xf32> to vector<1x16xf32>
      tpu.vector_store %arg7[%swap3A_118, %swap3A_119], %swap3A_122 {strides = array<i32>} : memref<128x128xf32, #tpu.memory_space<vmem>>, vector<1x16xf32>,
    }
    %scan3A_11 = arith.constant 128 : i32
    "tpu.region"() ({
      %run_scoped3A = tpu.sem_alloc : memref<!tpu.dma_semaphore, #tpu.memory_space<semaphore_mem>>
      %dma_start3A_12 = arith.constant 0 : i32
      %dma_start3A_13 = tpu.memref_slice %arg5[%mul3A_2, %dma_start3A_12] : memref<4096x128xf32, #tpu.memory_space<hbm>> -> memref<128x128xf32, #tpu.memory_space<hbm>>
      %dma_start3A_14 = arith.constant 0 : i32
      %dma_start3A_15 = tpu.memref_slice %arg5[%mul3A_2, %dma_start3A_14] : memref<4096x128xf32, #tpu.memory_space<hbm>> -> memref<128x128xf32, #tpu.memory_space<hbm>>
      tpu.enqueue_dma source(%arg7 : memref<128x128xf32, #tpu.memory_space<vmem>>) target(%dma_start3A_15 : memref<128x128xf32, #tpu.memory_space<hbm>>) target_semaphore(%run_scoped3A : memref<!tpu.dma_semaphore, #tpu.memory_space<semaphore_mem>>)
      %dma_wait3A_16 = arith.constant 0 : i32
      %dma_wait3A_17 = tpu.memref_slice %arg5[%mul3A_2, %dma_wait3A_16] : memref<4096x128xf32, #tpu.memory_space<hbm>> -> memref<128x128xf32, #tpu.memory_space<hbm>>
      %dma_wait3A_18 = arith.constant 0 : i32
      %dma_wait3A_19 = tpu.memref_slice %arg5[%mul3A_2, %dma_wait3A_18] : memref<4096x128xf32, #tpu.memory_space<hbm>> -> memref<128x128xf32, #tpu.memory_space<hbm>>
      tpu.wait_dma2 semaphore(%run_scoped3A : memref<!tpu.dma_semaphore, #tpu.memory_space<semaphore_mem>>) src(%arg7 : memref<128x128xf32, #tpu.memory_space<vmem>>) dst(%dma_wait3A_19 : memref<128x128xf32, #tpu.memory_space<hbm>>)
      tpu.yield
    }) : () -> ()
    return
  }
}

module attributes {stable_mosaic.version = 14 : i64} {
  func.func @_body(%arg0: i32, %arg1: memref<4096x128xf32, #tpu.memory_space<vmem>>, %arg2: memref<4096x128xf32, #tpu.memory_space<vmem>>, %arg3: memref<32x256xf32, #tpu.memory_space<vmem>>, %arg4: memref<1x32xf32, #tpu.memory_space<vmem>>, %arg5: memref<32x256xf32, #tpu.memory_space<vmem>>, %arg6: memref<1x32xf32, #tpu.memory_space<vmem>>, %arg7: memref<256x256xf32, #tpu.memory_space<vmem>>, %arg8: memref<1x256xf32, #tpu.memory_space<vmem>>, %arg9: memref<256x256xf32, #tpu.memory_space<vmem>>, %arg10: memref<1x256xf32, #tpu.memory_space<vmem>>, %arg11: memref<256x256xf32, #tpu.memory_space<vmem>>, %arg12: memref<1x256xf32, #tpu.memory_space<vmem>>, %arg13: memref<4096x1xi32, #tpu.memory_space<vmem>>, %arg14: memref<64x128xf32, #tpu.memory_space<vmem>>, %arg15: memref<384x128xf32, #tpu.memory_space<vmem>>, %arg16: memref<384x128xf32, #tpu.memory_space<vmem>>, %arg17: memref<1x384xf32, #tpu.memory_space<vmem>>, %arg18: memref<1x384xf32, #tpu.memory_space<vmem>>, %arg19: memref<128x128xf32, #tpu.memory_space<vmem>>, %arg20: memref<1x128xf32, #tpu.memory_space<vmem>>, %arg21: memref<4096x128xf32, #tpu.memory_space<vmem>>, %arg22: memref<64x128xf32, #tpu.memory_space<vmem>>, %arg23: memref<64x128xf32, #tpu.memory_space<vmem>>, %arg24: memref<4096x32xbf16, #tpu.memory_space<vmem>>, %arg25: memref<4096x256xbf16, #tpu.memory_space<vmem>>) attributes {dimension_semantics = [#tpu.dimension_semantics<arbitrary>], iteration_bounds = array<i64: 3>, scalar_prefetch = 0 : i64, scratch_operands = 2 : i64, tpu.core_type = #tpu.core_type<tc>, window_params = [{pipeline_mode = #tpu.pipeline_mode<synchronous>, transform_indices = @transform_0, window_bounds = array<i64: 4096, 128>}, {pipeline_mode = #tpu.pipeline_mode<synchronous>, transform_indices = @transform_1, window_bounds = array<i64: 4096, 128>}, {pipeline_mode = #tpu.pipeline_mode<synchronous>, transform_indices = @transform_2, window_bounds = array<i64: 32, 256>}, {pipeline_mode = #tpu.pipeline_mode<synchronous>, transform_indices = @transform_3, window_bounds = array<i64: 1, 32>}, {pipeline_mode = #tpu.pipeline_mode<synchronous>, transform_indices = @transform_4, window_bounds = array<i64: 32, 256>}, {pipeline_mode = #tpu.pipeline_mode<synchronous>, transform_indices = @transform_5, window_bounds = array<i64: 1, 32>}, {pipeline_mode = #tpu.pipeline_mode<synchronous>, transform_indices = @transform_6, window_bounds = array<i64: 256, 256>}, {pipeline_mode = #tpu.pipeline_mode<synchronous>, transform_indices = @transform_7, window_bounds = array<i64: 1, 256>}, {pipeline_mode = #tpu.pipeline_mode<synchronous>, transform_indices = @transform_8, window_bounds = array<i64: 256, 256>}, {pipeline_mode = #tpu.pipeline_mode<synchronous>, transform_indices = @transform_9, window_bounds = array<i64: 1, 256>}, {pipeline_mode = #tpu.pipeline_mode<synchronous>, transform_indices = @transform_10, window_bounds = array<i64: 256, 256>}, {pipeline_mode = #tpu.pipeline_mode<synchronous>, transform_indices = @transform_11, window_bounds = array<i64: 1, 256>}, {pipeline_mode = #tpu.pipeline_mode<synchronous>, transform_indices = @transform_12, window_bounds = array<i64: 4096, 1>}, {pipeline_mode = #tpu.pipeline_mode<synchronous>, transform_indices = @transform_13, window_bounds = array<i64: 64, 128>}, {pipeline_mode = #tpu.pipeline_mode<synchronous>, transform_indices = @transform_14, window_bounds = array<i64: 384, 128>}, {pipeline_mode = #tpu.pipeline_mode<synchronous>, transform_indices = @transform_15, window_bounds = array<i64: 384, 128>}, {pipeline_mode = #tpu.pipeline_mode<synchronous>, transform_indices = @transform_16, window_bounds = array<i64: 1, 384>}, {pipeline_mode = #tpu.pipeline_mode<synchronous>, transform_indices = @transform_17, window_bounds = array<i64: 1, 384>}, {pipeline_mode = #tpu.pipeline_mode<synchronous>, transform_indices = @transform_18, window_bounds = array<i64: 128, 128>}, {pipeline_mode = #tpu.pipeline_mode<synchronous>, transform_indices = @transform_19, window_bounds = array<i64: 1, 128>}, {pipeline_mode = #tpu.pipeline_mode<synchronous>, transform_indices = @transform_20, window_bounds = array<i64: 4096, 128>}, {pipeline_mode = #tpu.pipeline_mode<synchronous>, transform_indices = @transform_21, window_bounds = array<i64: 64, 128>}, {pipeline_mode = #tpu.pipeline_mode<synchronous>, transform_indices = @transform_22, window_bounds = array<i64: 64, 128>}]} {
    %eq3A = arith.constant 0 : i32
    %eq3A_0 = arith.cmpi eq, %arg0, %eq3A : i32
    %convert_element_type3A = arith.extui %eq3A_0 : i1 to i32
    %cond3A = arith.constant 0 : i32
    %cond3A_1 = arith.cmpi ne, %convert_element_type3A, %cond3A : i32
    scf.if %cond3A_1 {
      %get3A = arith.constant 0 : index
      %get3A_11 = arith.constant 0 : index
      %get3A_12 = vector.load %arg1[%get3A, %get3A_11] : memref<4096x128xf32, #tpu.memory_space<vmem>>, vector<4096x128xf32>
      %get3A_13 = arith.constant 0 : index
      %get3A_14 = arith.constant 0 : index
      %get3A_15 = vector.load %arg2[%get3A_13, %get3A_14] : memref<4096x128xf32, #tpu.memory_space<vmem>>, vector<4096x128xf32>
      %concatenate3A = tpu.concatenate %get3A_12, %get3A_15 in 1 : vector<4096x128xf32>, vector<4096x128xf32> -> vector<4096x256xf32>
      %get3A_16 = arith.constant 0 : index
      %get3A_17 = arith.constant 0 : index
      %get3A_18 = vector.load %arg5[%get3A_16, %get3A_17] : memref<32x256xf32, #tpu.memory_space<vmem>>, vector<32x256xf32>
      %convert_element_type3A_19 = arith.truncf %concatenate3A : vector<4096x256xf32> to vector<4096x256xbf16>
      %convert_element_type3A_20 = arith.truncf %get3A_18 : vector<32x256xf32> to vector<32x256xbf16>
      %dot_general3A = arith.constant dense<0.000000e+00> : vector<4096x32xf32>
      %dot_general3A_21 = tpu.matmul %convert_element_type3A_19, %convert_element_type3A_20, %dot_general3A {dimension_numbers = #tpu.dot_dimension_numbers<[1], [1], [0], [0], [0, 0, 1, 0], [], []>, transpose_lhs_hint = false} : vector<4096x256xbf16>, vector<32x256xbf16>, vector<4096x32xf32> -> vector<4096x32xf32>
      %get3A_22 = arith.constant 0 : index
      %get3A_23 = arith.constant 0 : index
      %get3A_24 = vector.load %arg6[%get3A_22, %get3A_23] : memref<1x32xf32, #tpu.memory_space<vmem>>, vector<1x32xf32>
      %add3A = vector.broadcast %get3A_24 : vector<1x32xf32> to vector<4096x32xf32>
      %add3A_25 = arith.addf %dot_general3A_21, %add3A : vector<4096x32xf32>
      %convert_element_type3A_26 = arith.truncf %add3A_25 : vector<4096x32xf32> to vector<4096x32xbf16>
      %swap3A = arith.constant 0 : index
      %swap3A_27 = arith.constant 0 : index
      %swap3A_28 = vector.load %arg24[%swap3A, %swap3A_27] : memref<4096x32xbf16, #tpu.memory_space<vmem>>, vector<4096x32xbf16>
      tpu.vector_store %arg24[%swap3A, %swap3A_27], %convert_element_type3A_26 {strides = array<i32>} : memref<4096x32xbf16, #tpu.memory_space<vmem>>, vector<4096x32xbf16>,
      %get3A_29 = arith.constant 0 : index
      %get3A_30 = arith.constant 0 : index
      %get3A_31 = vector.load %arg7[%get3A_29, %get3A_30] : memref<256x256xf32, #tpu.memory_space<vmem>>, vector<256x256xf32>
      %convert_element_type3A_32 = arith.truncf %concatenate3A : vector<4096x256xf32> to vector<4096x256xbf16>
      %convert_element_type3A_33 = arith.truncf %get3A_31 : vector<256x256xf32> to vector<256x256xbf16>
      %dot_general3A_34 = arith.constant dense<0.000000e+00> : vector<4096x256xf32>
      %dot_general3A_35 = tpu.matmul %convert_element_type3A_32, %convert_element_type3A_33, %dot_general3A_34 {dimension_numbers = #tpu.dot_dimension_numbers<[1], [1], [0], [0], [0, 0, 1, 0], [], []>, transpose_lhs_hint = false} : vector<4096x256xbf16>, vector<256x256xbf16>, vector<4096x256xf32> -> vector<4096x256xf32>
      %get3A_36 = arith.constant 0 : index
      %get3A_37 = arith.constant 0 : index
      %get3A_38 = vector.load %arg8[%get3A_36, %get3A_37] : memref<1x256xf32, #tpu.memory_space<vmem>>, vector<1x256xf32>
      %add3A_39 = vector.broadcast %get3A_38 : vector<1x256xf32> to vector<4096x256xf32>
      %add3A_40 = arith.addf %dot_general3A_35, %add3A_39 : vector<4096x256xf32>
      %convert_element_type3A_41 = arith.truncf %add3A_40 : vector<4096x256xf32> to vector<4096x256xbf16>
      %swap3A_42 = arith.constant 0 : index
      %swap3A_43 = arith.constant 0 : index
      %swap3A_44 = vector.load %arg25[%swap3A_42, %swap3A_43] : memref<4096x256xbf16, #tpu.memory_space<vmem>>, vector<4096x256xbf16>
      tpu.vector_store %arg25[%swap3A_42, %swap3A_43], %convert_element_type3A_41 {strides = array<i32>} : memref<4096x256xbf16, #tpu.memory_space<vmem>>, vector<4096x256xbf16>,
    } else {
    }
    %lt3A = arith.constant 2 : i32
    %lt3A_2 = arith.cmpi slt, %arg0, %lt3A : i32
    %convert_element_type3A_3 = arith.extui %lt3A_2 : i1 to i32
    %cond3A_4 = arith.constant 0 : i32
    %cond3A_5 = arith.cmpi ne, %convert_element_type3A_3, %cond3A_4 : i32
    scf.if %cond3A_5 {
      %mul3A = arith.constant 2048 : i32
      %mul3A_11 = arith.muli %arg0, %mul3A : i32
      %multiple_of3A = tpu.assume_multiple %mul3A_11, 2048 : i32
      %get3A = arith.index_cast %multiple_of3A : i32 to index
      %get3A_12 = arith.constant 0 : index
      %get3A_13 = vector.load %arg1[%get3A, %get3A_12] : memref<4096x128xf32, #tpu.memory_space<vmem>>, vector<2048x128xf32>
      %get3A_14 = arith.index_cast %multiple_of3A : i32 to index
      %get3A_15 = arith.constant 0 : index
      %get3A_16 = vector.load %arg2[%get3A_14, %get3A_15] : memref<4096x128xf32, #tpu.memory_space<vmem>>, vector<2048x128xf32>
      %concatenate3A = tpu.concatenate %get3A_13, %get3A_16 in 1 : vector<2048x128xf32>, vector<2048x128xf32> -> vector<2048x256xf32>
      %get3A_17 = arith.constant 0 : index
      %get3A_18 = arith.constant 0 : index
      %get3A_19 = vector.load %arg3[%get3A_17, %get3A_18] : memref<32x256xf32, #tpu.memory_space<vmem>>, vector<32x256xf32>
      %convert_element_type3A_20 = arith.truncf %concatenate3A : vector<2048x256xf32> to vector<2048x256xbf16>
      %convert_element_type3A_21 = arith.truncf %get3A_19 : vector<32x256xf32> to vector<32x256xbf16>
      %dot_general3A = arith.constant dense<0.000000e+00> : vector<2048x32xf32>
      %dot_general3A_22 = tpu.matmul %convert_element_type3A_20, %convert_element_type3A_21, %dot_general3A {dimension_numbers = #tpu.dot_dimension_numbers<[1], [1], [0], [0], [0, 0, 1, 0], [], []>, transpose_lhs_hint = false} : vector<2048x256xbf16>, vector<32x256xbf16>, vector<2048x32xf32> -> vector<2048x32xf32>
      %get3A_23 = arith.constant 0 : index
      %get3A_24 = arith.constant 0 : index
      %get3A_25 = vector.load %arg4[%get3A_23, %get3A_24] : memref<1x32xf32, #tpu.memory_space<vmem>>, vector<1x32xf32>
      %add3A = vector.broadcast %get3A_25 : vector<1x32xf32> to vector<2048x32xf32>
      %add3A_26 = arith.addf %dot_general3A_22, %add3A : vector<2048x32xf32>
      %mul3A_27 = arith.constant 0.255034864 : f32
      %mul3A_28 = vector.broadcast %mul3A_27 : f32 to vector<2048x32xf32>
      %mul3A_29 = arith.mulf %add3A_26, %mul3A_28 : vector<2048x32xf32>
      %get3A_30 = arith.constant 0 : index
      %get3A_31 = arith.constant 0 : index
      %get3A_32 = vector.load %arg24[%get3A_30, %get3A_31] : memref<4096x32xbf16, #tpu.memory_space<vmem>>, vector<4096x32xbf16>
      %convert_element_type3A_33 = arith.truncf %mul3A_29 : vector<2048x32xf32> to vector<2048x32xbf16>
      %dot_general3A_34 = arith.constant dense<0.000000e+00> : vector<2048x4096xf32>
      %dot_general3A_35 = tpu.matmul %convert_element_type3A_33, %get3A_32, %dot_general3A_34 {dimension_numbers = #tpu.dot_dimension_numbers<[1], [1], [0], [0], [0, 0, 1, 0], [], []>, transpose_lhs_hint = false} : vector<2048x32xbf16>, vector<4096x32xbf16>, vector<2048x4096xf32> -> vector<2048x4096xf32>
      %mul3A_36 = arith.constant 2.000000e-01 : f32
      %mul3A_37 = vector.broadcast %mul3A_36 : f32 to vector<2048x4096xf32>
      %mul3A_38 = arith.mulf %mul3A_37, %dot_general3A_35 : vector<2048x4096xf32>
      %max3A = arith.maximumf %dot_general3A_35, %mul3A_38 : vector<2048x4096xf32>
      %exp23A = math.exp2 %max3A : vector<2048x4096xf32>
      %get3A_39 = arith.constant 0 : index
      %get3A_40 = arith.constant 0 : index
      %get3A_41 = vector.load %arg25[%get3A_39, %get3A_40] : memref<4096x256xbf16, #tpu.memory_space<vmem>>, vector<4096x256xbf16>
      %convert_element_type3A_42 = arith.truncf %exp23A : vector<2048x4096xf32> to vector<2048x4096xbf16>
      %dot_general3A_43 = arith.constant dense<0.000000e+00> : vector<2048x256xf32>
      %dot_general3A_44 = tpu.matmul %convert_element_type3A_42, %get3A_41, %dot_general3A_43 {dimension_numbers = #tpu.dot_dimension_numbers<[1], [0], [0], [1], [0, 0, 1, 1], [], []>, transpose_lhs_hint = false} : vector<2048x4096xbf16>, vector<4096x256xbf16>, vector<2048x256xf32> -> vector<2048x256xf32>
      %reduce_sum3A = arith.constant dense<0.000000e+00> : vector<2048xf32>
      %reduce_sum3A_45 = vector.multi_reduction <add>, %exp23A, %reduce_sum3A [1] : vector<2048x4096xf32> to vector<2048xf32>
      %broadcast_in_dim3A = vector.shape_cast %reduce_sum3A_45 : vector<2048xf32> to vector<2048x1xf32>
      %div3A = arith.constant 1.000000e+00 : f32
      %div3A_46 = vector.broadcast %div3A : f32 to vector<2048x1xf32>
      %div3A_47 = arith.divf %div3A_46, %broadcast_in_dim3A : vector<2048x1xf32>
      %mul3A_48 = vector.broadcast %div3A_47 : vector<2048x1xf32> to vector<2048x256xf32>
      %mul3A_49 = arith.mulf %dot_general3A_44, %mul3A_48 : vector<2048x256xf32>
      %get3A_50 = arith.constant 0 : index
      %get3A_51 = arith.constant 0 : index
      %get3A_52 = vector.load %arg9[%get3A_50, %get3A_51] : memref<256x256xf32, #tpu.memory_space<vmem>>, vector<256x256xf32>
      %convert_element_type3A_53 = arith.truncf %mul3A_49 : vector<2048x256xf32> to vector<2048x256xbf16>
      %convert_element_type3A_54 = arith.truncf %get3A_52 : vector<256x256xf32> to vector<256x256xbf16>
      %dot_general3A_55 = arith.constant dense<0.000000e+00> : vector<2048x256xf32>
      %dot_general3A_56 = tpu.matmul %convert_element_type3A_53, %convert_element_type3A_54, %dot_general3A_55 {dimension_numbers = #tpu.dot_dimension_numbers<[1], [1], [0], [0], [0, 0, 1, 0], [], []>, transpose_lhs_hint = false} : vector<2048x256xbf16>, vector<256x256xbf16>, vector<2048x256xf32> -> vector<2048x256xf32>
      %get3A_57 = arith.constant 0 : index
      %get3A_58 = arith.constant 0 : index
      %get3A_59 = vector.load %arg10[%get3A_57, %get3A_58] : memref<1x256xf32, #tpu.memory_space<vmem>>, vector<1x256xf32>
      %add3A_60 = vector.broadcast %get3A_59 : vector<1x256xf32> to vector<2048x256xf32>
      %add3A_61 = arith.addf %dot_general3A_56, %add3A_60 : vector<2048x256xf32>
      %max3A_62 = arith.constant 0.000000e+00 : f32
      %max3A_63 = vector.broadcast %max3A_62 : f32 to vector<2048x256xf32>
      %max3A_64 = arith.maximumf %add3A_61, %max3A_63 : vector<2048x256xf32>
      %get3A_65 = arith.constant 0 : index
      %get3A_66 = arith.constant 0 : index
      %get3A_67 = vector.load %arg11[%get3A_65, %get3A_66] : memref<256x256xf32, #tpu.memory_space<vmem>>, vector<256x256xf32>
      %convert_element_type3A_68 = arith.truncf %max3A_64 : vector<2048x256xf32> to vector<2048x256xbf16>
      %convert_element_type3A_69 = arith.truncf %get3A_67 : vector<256x256xf32> to vector<256x256xbf16>
      %dot_general3A_70 = arith.constant dense<0.000000e+00> : vector<2048x256xf32>
      %dot_general3A_71 = tpu.matmul %convert_element_type3A_68, %convert_element_type3A_69, %dot_general3A_70 {dimension_numbers = #tpu.dot_dimension_numbers<[1], [1], [0], [0], [0, 0, 1, 0], [], []>, transpose_lhs_hint = false} : vector<2048x256xbf16>, vector<256x256xbf16>, vector<2048x256xf32> -> vector<2048x256xf32>
      %get3A_72 = arith.constant 0 : index
      %get3A_73 = arith.constant 0 : index
      %get3A_74 = vector.load %arg12[%get3A_72, %get3A_73] : memref<1x256xf32, #tpu.memory_space<vmem>>, vector<1x256xf32>
      %add3A_75 = vector.broadcast %get3A_74 : vector<1x256xf32> to vector<2048x256xf32>
      %add3A_76 = arith.addf %dot_general3A_71, %add3A_75 : vector<2048x256xf32>
      %slice3A = vector.extract_strided_slice %add3A_76 {offsets = [0, 128], sizes = [2048, 128], strides = [1, 1]} : vector<2048x256xf32> to vector<2048x128xf32>
      %add3A_77 = arith.addf %slice3A, %get3A_16 : vector<2048x128xf32>
      %swap3A = arith.index_cast %multiple_of3A : i32 to index
      %swap3A_78 = arith.constant 0 : index
      %swap3A_79 = vector.load %arg21[%swap3A, %swap3A_78] : memref<4096x128xf32, #tpu.memory_space<vmem>>, vector<2048x128xf32>
      tpu.vector_store %arg21[%swap3A, %swap3A_78], %add3A_77 {strides = array<i32>} : memref<4096x128xf32, #tpu.memory_space<vmem>>, vector<2048x128xf32>,
    } else {
    }
    %eq3A_6 = arith.constant 2 : i32
    %eq3A_7 = arith.cmpi eq, %arg0, %eq3A_6 : i32
    %convert_element_type3A_8 = arith.extui %eq3A_7 : i1 to i32
    %cond3A_9 = arith.constant 0 : i32
    %cond3A_10 = arith.cmpi ne, %convert_element_type3A_8, %cond3A_9 : i32
    scf.if %cond3A_10 {
      %get3A = arith.constant 0 : index
      %get3A_11 = arith.constant 0 : index
      %get3A_12 = vector.load %arg21[%get3A, %get3A_11] : memref<4096x128xf32, #tpu.memory_space<vmem>>, vector<4096x128xf32>
      %get3A_13 = arith.constant 0 : index
      %get3A_14 = arith.constant 0 : index
      %get3A_15 = vector.load %arg13[%get3A_13, %get3A_14] : memref<4096x1xi32, #tpu.memory_space<vmem>>, vector<4096x1xi32>
      %iota3A = tpu.iota {dimensions = array<i32: 1>} : vector<4096x64xi32>
      %eq3A_16 = vector.broadcast %get3A_15 : vector<4096x1xi32> to vector<4096x64xi32>
      %eq3A_17 = arith.cmpi eq, %eq3A_16, %iota3A : vector<4096x64xi32>
      %convert_element_type3A_18 = arith.extui %eq3A_17 : vector<4096x64xi1> to vector<4096x64xi32>
      %convert_element_type3A_19 = arith.sitofp %convert_element_type3A_18 : vector<4096x64xi32> to vector<4096x64xf32>
      %broadcast_in_dim3A = arith.constant 1.000000e+00 : f32
      %broadcast_in_dim3A_20 = vector.broadcast %broadcast_in_dim3A : f32 to vector<4096x1xf32>
      %dot_general3A = arith.constant dense<0.000000e+00> : vector<64x1xf32>
      %dot_general3A_21 = tpu.matmul %convert_element_type3A_19, %broadcast_in_dim3A_20, %dot_general3A {dimension_numbers = #tpu.dot_dimension_numbers<[0], [0], [1], [1], [0, 1, 1, 1], [], []>, transpose_lhs_hint = false} : vector<4096x64xf32>, vector<4096x1xf32>, vector<64x1xf32> -> vector<64x1xf32>
      %dot_general3A_22 = arith.constant dense<0.000000e+00> : vector<64x128xf32>
      %dot_general3A_23 = tpu.matmul %convert_element_type3A_19, %get3A_12, %dot_general3A_22 {dimension_numbers = #tpu.dot_dimension_numbers<[0], [0], [1], [1], [0, 1, 1, 1], [], []>, transpose_lhs_hint = false} : vector<4096x64xf32>, vector<4096x128xf32>, vector<64x128xf32> -> vector<64x128xf32>
      %max3A = arith.constant 1.000000e+00 : f32
      %max3A_24 = vector.broadcast %max3A : f32 to vector<64x1xf32>
      %max3A_25 = arith.maximumf %dot_general3A_21, %max3A_24 : vector<64x1xf32>
      %div3A = vector.broadcast %max3A_25 : vector<64x1xf32> to vector<64x128xf32>
      %div3A_26 = arith.divf %dot_general3A_23, %div3A : vector<64x128xf32>
      %get3A_27 = arith.constant 0 : index
      %get3A_28 = arith.constant 0 : index
      %get3A_29 = vector.load %arg14[%get3A_27, %get3A_28] : memref<64x128xf32, #tpu.memory_space<vmem>>, vector<64x128xf32>
      %get3A_30 = arith.constant 0 : index
      %get3A_31 = arith.constant 0 : index
      %get3A_32 = vector.load %arg15[%get3A_30, %get3A_31] : memref<384x128xf32, #tpu.memory_space<vmem>>, vector<384x128xf32>
      %dot_general3A_33 = arith.constant dense<0.000000e+00> : vector<64x384xf32>
      %dot_general3A_34 = tpu.matmul %div3A_26, %get3A_32, %dot_general3A_33 {dimension_numbers = #tpu.dot_dimension_numbers<[1], [1], [0], [0], [0, 0, 1, 0], [], []>, transpose_lhs_hint = false} : vector<64x128xf32>, vector<384x128xf32>, vector<64x384xf32> -> vector<64x384xf32>
      %get3A_35 = arith.constant 0 : index
      %get3A_36 = arith.constant 0 : index
      %get3A_37 = vector.load %arg17[%get3A_35, %get3A_36] : memref<1x384xf32, #tpu.memory_space<vmem>>, vector<1x384xf32>
      %add3A = vector.broadcast %get3A_37 : vector<1x384xf32> to vector<64x384xf32>
      %add3A_38 = arith.addf %dot_general3A_34, %add3A : vector<64x384xf32>
      %get3A_39 = arith.constant 0 : index
      %get3A_40 = arith.constant 0 : index
      %get3A_41 = vector.load %arg16[%get3A_39, %get3A_40] : memref<384x128xf32, #tpu.memory_space<vmem>>, vector<384x128xf32>
      %dot_general3A_42 = arith.constant dense<0.000000e+00> : vector<64x384xf32>
      %dot_general3A_43 = tpu.matmul %get3A_29, %get3A_41, %dot_general3A_42 {dimension_numbers = #tpu.dot_dimension_numbers<[1], [1], [0], [0], [0, 0, 1, 0], [], []>, transpose_lhs_hint = false} : vector<64x128xf32>, vector<384x128xf32>, vector<64x384xf32> -> vector<64x384xf32>
      %get3A_44 = arith.constant 0 : index
      %get3A_45 = arith.constant 0 : index
      %get3A_46 = vector.load %arg18[%get3A_44, %get3A_45] : memref<1x384xf32, #tpu.memory_space<vmem>>, vector<1x384xf32>
      %add3A_47 = vector.broadcast %get3A_46 : vector<1x384xf32> to vector<64x384xf32>
      %add3A_48 = arith.addf %dot_general3A_43, %add3A_47 : vector<64x384xf32>
      %slice3A = vector.extract_strided_slice %add3A_38 {offsets = [0, 0], sizes = [64, 128], strides = [1, 1]} : vector<64x384xf32> to vector<64x128xf32>
      %slice3A_49 = vector.extract_strided_slice %add3A_48 {offsets = [0, 0], sizes = [64, 128], strides = [1, 1]} : vector<64x384xf32> to vector<64x128xf32>
      %add3A_50 = arith.addf %slice3A, %slice3A_49 : vector<64x128xf32>
      %logistic3A = arith.negf %add3A_50 : vector<64x128xf32>
      %logistic3A_51 = math.exp %logistic3A : vector<64x128xf32>
      %logistic3A_52 = arith.constant 1.000000e+00 : f32
      %logistic3A_53 = vector.broadcast %logistic3A_52 : f32 to vector<64x128xf32>
      %logistic3A_54 = arith.addf %logistic3A_53, %logistic3A_51 : vector<64x128xf32>
      %logistic3A_55 = arith.divf %logistic3A_53, %logistic3A_54 : vector<64x128xf32>
      %slice3A_56 = vector.extract_strided_slice %add3A_38 {offsets = [0, 128], sizes = [64, 128], strides = [1, 1]} : vector<64x384xf32> to vector<64x128xf32>
      %slice3A_57 = vector.extract_strided_slice %add3A_48 {offsets = [0, 128], sizes = [64, 128], strides = [1, 1]} : vector<64x384xf32> to vector<64x128xf32>
      %add3A_58 = arith.addf %slice3A_56, %slice3A_57 : vector<64x128xf32>
      %logistic3A_59 = arith.negf %add3A_58 : vector<64x128xf32>
      %logistic3A_60 = math.exp %logistic3A_59 : vector<64x128xf32>
      %logistic3A_61 = arith.constant 1.000000e+00 : f32
      %logistic3A_62 = vector.broadcast %logistic3A_61 : f32 to vector<64x128xf32>
      %logistic3A_63 = arith.addf %logistic3A_62, %logistic3A_60 : vector<64x128xf32>
      %logistic3A_64 = arith.divf %logistic3A_62, %logistic3A_63 : vector<64x128xf32>
      %slice3A_65 = vector.extract_strided_slice %add3A_38 {offsets = [0, 256], sizes = [64, 128], strides = [1, 1]} : vector<64x384xf32> to vector<64x128xf32>
      %slice3A_66 = vector.extract_strided_slice %add3A_48 {offsets = [0, 256], sizes = [64, 128], strides = [1, 1]} : vector<64x384xf32> to vector<64x128xf32>
      %mul3A = arith.mulf %logistic3A_55, %slice3A_66 : vector<64x128xf32>
      %add3A_67 = arith.addf %slice3A_65, %mul3A : vector<64x128xf32>
      %tanh3A = math.tanh %add3A_67 : vector<64x128xf32>
      %sub3A = arith.constant 1.000000e+00 : f32
      %sub3A_68 = vector.broadcast %sub3A : f32 to vector<64x128xf32>
      %sub3A_69 = arith.subf %sub3A_68, %logistic3A_64 : vector<64x128xf32>
      %mul3A_70 = arith.mulf %sub3A_69, %tanh3A : vector<64x128xf32>
      %mul3A_71 = arith.mulf %logistic3A_64, %get3A_29 : vector<64x128xf32>
      %add3A_72 = arith.addf %mul3A_70, %mul3A_71 : vector<64x128xf32>
      %swap3A = arith.constant 0 : index
      %swap3A_73 = arith.constant 0 : index
      %swap3A_74 = vector.load %arg22[%swap3A, %swap3A_73] : memref<64x128xf32, #tpu.memory_space<vmem>>, vector<64x128xf32>
      tpu.vector_store %arg22[%swap3A, %swap3A_73], %add3A_72 {strides = array<i32>} : memref<64x128xf32, #tpu.memory_space<vmem>>, vector<64x128xf32>,
      %get3A_75 = arith.constant 0 : index
      %get3A_76 = arith.constant 0 : index
      %get3A_77 = vector.load %arg19[%get3A_75, %get3A_76] : memref<128x128xf32, #tpu.memory_space<vmem>>, vector<128x128xf32>
      %dot_general3A_78 = arith.constant dense<0.000000e+00> : vector<64x128xf32>
      %dot_general3A_79 = tpu.matmul %add3A_72, %get3A_77, %dot_general3A_78 {dimension_numbers = #tpu.dot_dimension_numbers<[1], [1], [0], [0], [0, 0, 1, 0], [], []>, transpose_lhs_hint = false} : vector<64x128xf32>, vector<128x128xf32>, vector<64x128xf32> -> vector<64x128xf32>
      %get3A_80 = arith.constant 0 : index
      %get3A_81 = arith.constant 0 : index
      %get3A_82 = vector.load %arg20[%get3A_80, %get3A_81] : memref<1x128xf32, #tpu.memory_space<vmem>>, vector<1x128xf32>
      %add3A_83 = vector.broadcast %get3A_82 : vector<1x128xf32> to vector<64x128xf32>
      %add3A_84 = arith.addf %dot_general3A_79, %add3A_83 : vector<64x128xf32>
      %swap3A_85 = arith.constant 0 : index
      %swap3A_86 = arith.constant 0 : index
      %swap3A_87 = vector.load %arg23[%swap3A_85, %swap3A_86] : memref<64x128xf32, #tpu.memory_space<vmem>>, vector<64x128xf32>
      tpu.vector_store %arg23[%swap3A_85, %swap3A_86], %add3A_84 {strides = array<i32>} : memref<64x128xf32, #tpu.memory_space<vmem>>, vector<64x128xf32>,
    } else {
    }
    return
  }
  func.func @transform_0(%arg0: i32) -> (i32, i32) {
    %c0_i32 = arith.constant 0 : i32
    %c0_i32_0 = arith.constant 0 : i32
    %c0_i32_1 = arith.constant 0 : i32
    return %c0_i32, %c0_i32_0 : i32, i32
  }
  func.func @transform_1(%arg0: i32) -> (i32, i32) {
    %c0_i32 = arith.constant 0 : i32
    %c0_i32_0 = arith.constant 0 : i32
    %c0_i32_1 = arith.constant 0 : i32
    return %c0_i32, %c0_i32_0 : i32, i32
  }
  func.func @transform_2(%arg0: i32) -> (i32, i32) {
    %c0_i32 = arith.constant 0 : i32
    %c0_i32_0 = arith.constant 0 : i32
    %c0_i32_1 = arith.constant 0 : i32
    return %c0_i32, %c0_i32_0 : i32, i32
  }
  func.func @transform_3(%arg0: i32) -> (i32, i32) {
    %c0_i32 = arith.constant 0 : i32
    %c0_i32_0 = arith.constant 0 : i32
    %c0_i32_1 = arith.constant 0 : i32
    return %c0_i32, %c0_i32_0 : i32, i32
  }
  func.func @transform_4(%arg0: i32) -> (i32, i32) {
    %c0_i32 = arith.constant 0 : i32
    %c0_i32_0 = arith.constant 0 : i32
    %c0_i32_1 = arith.constant 0 : i32
    return %c0_i32, %c0_i32_0 : i32, i32
  }
  func.func @transform_5(%arg0: i32) -> (i32, i32) {
    %c0_i32 = arith.constant 0 : i32
    %c0_i32_0 = arith.constant 0 : i32
    %c0_i32_1 = arith.constant 0 : i32
    return %c0_i32, %c0_i32_0 : i32, i32
  }
  func.func @transform_6(%arg0: i32) -> (i32, i32) {
    %c0_i32 = arith.constant 0 : i32
    %c0_i32_0 = arith.constant 0 : i32
    %c0_i32_1 = arith.constant 0 : i32
    return %c0_i32, %c0_i32_0 : i32, i32
  }
  func.func @transform_7(%arg0: i32) -> (i32, i32) {
    %c0_i32 = arith.constant 0 : i32
    %c0_i32_0 = arith.constant 0 : i32
    %c0_i32_1 = arith.constant 0 : i32
    return %c0_i32, %c0_i32_0 : i32, i32
  }
  func.func @transform_8(%arg0: i32) -> (i32, i32) {
    %c0_i32 = arith.constant 0 : i32
    %c0_i32_0 = arith.constant 0 : i32
    %c0_i32_1 = arith.constant 0 : i32
    return %c0_i32, %c0_i32_0 : i32, i32
  }
  func.func @transform_9(%arg0: i32) -> (i32, i32) {
    %c0_i32 = arith.constant 0 : i32
    %c0_i32_0 = arith.constant 0 : i32
    %c0_i32_1 = arith.constant 0 : i32
    return %c0_i32, %c0_i32_0 : i32, i32
  }
  func.func @transform_10(%arg0: i32) -> (i32, i32) {
    %c0_i32 = arith.constant 0 : i32
    %c0_i32_0 = arith.constant 0 : i32
    %c0_i32_1 = arith.constant 0 : i32
    return %c0_i32, %c0_i32_0 : i32, i32
  }
  func.func @transform_11(%arg0: i32) -> (i32, i32) {
    %c0_i32 = arith.constant 0 : i32
    %c0_i32_0 = arith.constant 0 : i32
    %c0_i32_1 = arith.constant 0 : i32
    return %c0_i32, %c0_i32_0 : i32, i32
  }
  func.func @transform_12(%arg0: i32) -> (i32, i32) {
    %c0_i32 = arith.constant 0 : i32
    %c0_i32_0 = arith.constant 0 : i32
    %c0_i32_1 = arith.constant 0 : i32
    return %c0_i32, %c0_i32_0 : i32, i32
  }
  func.func @transform_13(%arg0: i32) -> (i32, i32) {
    %c0_i32 = arith.constant 0 : i32
    %c0_i32_0 = arith.constant 0 : i32
    %c0_i32_1 = arith.constant 0 : i32
    return %c0_i32, %c0_i32_0 : i32, i32
  }
  func.func @transform_14(%arg0: i32) -> (i32, i32) {
    %c0_i32 = arith.constant 0 : i32
    %c0_i32_0 = arith.constant 0 : i32
    %c0_i32_1 = arith.constant 0 : i32
    return %c0_i32, %c0_i32_0 : i32, i32
  }
  func.func @transform_15(%arg0: i32) -> (i32, i32) {
    %c0_i32 = arith.constant 0 : i32
    %c0_i32_0 = arith.constant 0 : i32
    %c0_i32_1 = arith.constant 0 : i32
    return %c0_i32, %c0_i32_0 : i32, i32
  }
  func.func @transform_16(%arg0: i32) -> (i32, i32) {
    %c0_i32 = arith.constant 0 : i32
    %c0_i32_0 = arith.constant 0 : i32
    %c0_i32_1 = arith.constant 0 : i32
    return %c0_i32, %c0_i32_0 : i32, i32
  }
  func.func @transform_17(%arg0: i32) -> (i32, i32) {
    %c0_i32 = arith.constant 0 : i32
    %c0_i32_0 = arith.constant 0 : i32
    %c0_i32_1 = arith.constant 0 : i32
    return %c0_i32, %c0_i32_0 : i32, i32
  }
  func.func @transform_18(%arg0: i32) -> (i32, i32) {
    %c0_i32 = arith.constant 0 : i32
    %c0_i32_0 = arith.constant 0 : i32
    %c0_i32_1 = arith.constant 0 : i32
    return %c0_i32, %c0_i32_0 : i32, i32
  }
  func.func @transform_19(%arg0: i32) -> (i32, i32) {
    %c0_i32 = arith.constant 0 : i32
    %c0_i32_0 = arith.constant 0 : i32
    %c0_i32_1 = arith.constant 0 : i32
    return %c0_i32, %c0_i32_0 : i32, i32
  }
  func.func @transform_20(%arg0: i32) -> (i32, i32) {
    %c0_i32 = arith.constant 0 : i32
    %c0_i32_0 = arith.constant 0 : i32
    %c0_i32_1 = arith.constant 0 : i32
    return %c0_i32, %c0_i32_0 : i32, i32
  }
  func.func @transform_21(%arg0: i32) -> (i32, i32) {
    %c0_i32 = arith.constant 0 : i32
    %c0_i32_0 = arith.constant 0 : i32
    %c0_i32_1 = arith.constant 0 : i32
    return %c0_i32, %c0_i32_0 : i32, i32
  }
  func.func @transform_22(%arg0: i32) -> (i32, i32) {
    %c0_i32 = arith.constant 0 : i32
    %c0_i32_0 = arith.constant 0 : i32
    %c0_i32_1 = arith.constant 0 : i32
    return %c0_i32, %c0_i32_0 : i32, i32
  }
}

</mosaic_0001>

<sc_bundles>
// kernel: kernel.4.cloned.1.call-start
scs
__scs_entry_jumppad:
0x0: {  	(pc) =	sbr.rel $0x88, $3  }
0x1: {  	(tag) =	ssettag $0x0;
	lr =	simm.s32 $0x1  }
0x2: {  	[smem:$0x3F8D] =	sst lr;
	_ =	strace $0xD0000000  }
0x3: {  	_ = 	snop  }
0x4: {  	_ = 	snop  }
0x5: {  	_ = 	snop  }
0x6: {  	_ = 	snop  }
0x7: {  	_ = 	snop  }
__scs_overlays_trampoline_lowered:
0x8: {  	[smem:$0x3F9C] =	sst s0  }
0x9: {  	[smem:$0x3F9D] =	sst s1  }
0xa: {  	[smem:$0x3F9E] =	sst s2  }
0xb: {  	[smem:$0x3F9F] =	sst s3  }
0xc: {  	[smem:$0x3FA0] =	sst s4  }
0xd: {  	[smem:$0x3FA1] =	sst s5  }
0xe: {  	[smem:$0x3FA2] =	sst s6  }
0xf: {  	[smem:$0x3FA3] =	sst s7  }
0x10: {  	[smem:$0x3FA4] =	sst s8  }
0x11: {  	[smem:$0x3FA5] =	sst s9;
	s0 =	simm.s32 @!p0 $0x0  }
0x12: {  	s1 =	sld [smem:$0x3F8B];
	s0 =	simm.s32 @p0 $0x1  }
0x13: {  	[smem:$0x3FA6] =	sst s0;
	s0 =	simm.s32 @!p1 $0x0  }
0x14: {  	s2 =	sld [smem:$0x3F8A];
	s0 =	simm.s32 @p1 $0x1  }
0x15: {  	[smem:$0x3FA7] =	sst s0;
	s0 =	simm.s32 @!p2 $0x0  }
0x16: {  	s3 =	sld [smem:$0x3FDB];
	s0 =	simm.s32 @p2 $0x1  }
0x17: {  	s4 =	simm.s32 $0x1BF5;
	[smem:$0x3FA9] =	sst s0  }
0x18: {  	s0 =	sld [smem:$0x3F8C];
	_ =	swait.ge [sflag:s4], $0x0  }
0x19: {  	s7 =	sld [smem:$0x3F8D]  }
0x1a: {  	s8 =	sadd.s32 $0xFFFFE003, lr  }
0x1b: {  	s9 =	sadd.s32 $0xFFFFFEF7, lr;
	s5 =	simm.s32 $0xFFFFFFFF;
	p2 =	slt.u32 s8, $0xFFFFF086  }
0x1c: {  	p1 =	slt.u32 s9, $0xF7A;
	s5 =	simm.s32 @!p2 $0x0  }
0x1d: {  	s5 =	simm.s32 @p1 $0x1;
	p0 =	seq.s32 s7, s2  }
0x1e: {  	s7 =	smul.u32 @!p0 $0xF7A, s2;
	p2 =	seq.s32 @!p0 s5, $0x0  }
0x1f: {  	s9 =	smul.u32 $0xF7A, s1;
	s8 =	simm.s32 @!p0 $0x1BF5;
	p2 =	por !p2, p0  }
0x20: {  	[sflag:s8] =	ssyncset.s32 @!p0 $0xFFFFF086;
	s6 =	sadd.s32 @!p0 s3, s7;
	s7 =	simm.s32 @!p0 $0x108  }
0x21: {  	s3 =	sadd.s32 s3, s9;
	s6 =	sadd.s32 @!p0 $0x88, s6;
	s7 =	simm.s32 @p2 $0x1082  }
0x22: {  	[simem:s7], [sflag:s8] =	dma.local @!p0 [hbm:s6], $0xF7A  }
0x23: {  	s9 =	sor.u32 $0xD0000000, s2;
	s6 =	simm.s32 $0x108;
	_ =	swait.ge @!p0 [sflag:s8], $0x0  }
0x24: {  	s3 =	sadd.s32 $0x88, s3;
	s6 =	simm.s32 @!p1 $0x1082;
	[sflag:s4] =	ssyncset.s32 $0xFFFFF086  }
0x25: {  	[simem:s6], [sflag:s4] =	dma.local [hbm:s3], $0xF7A  }
0x26: {  	[smem:$0x3F8D] =	sst s1;
	(tag) =	ssettag s2;
	_ =	strace s9  }
0x27: {  	s1 =	sld [smem:$0x3F9D]  }
0x28: {  	s2 =	sld [smem:$0x3F9E]  }
0x29: {  	s4 =	sld [smem:$0x3FA0]  }
0x2a: {  	p0 =	seq.s32 s5, $0x0;
	s5 =	sld [smem:$0x3FA1]  }
0x2b: {  	s6 =	sld [smem:$0x3FA2]  }
0x2c: {  	s7 =	sld [smem:$0x3FA3]  }
0x2d: {  	s3 =	simm.s32 $0x108;
	s8 =	sld [smem:$0x3FA4]  }
0x2e: {  	s3 =	simm.s32 @!p0 $0x1082;
	s9 =	sld [smem:$0x3FA5]  }
0x2f: {  	lr =	sadd.s32 s0, s3;
	s0 =	sld [smem:$0x3F9C]  }
0x30: {  	s3 =	sld [smem:$0x3F9F]  }
0x31: {  	[smem:$0x3FA8] =	sst s10  }
0x32: {  	s10 =	sld [smem:$0x3FA6];
	_ =	sdelay $0x3  }
0x33: {  	p0 =	seq.s32 s10, $0x1;
	s10 =	sld [smem:$0x3FA8];
	_ =	sdelay $0x3  }
0x34: {  	[smem:$0x3FA8] =	sst s10  }
0x35: {  	s10 =	sld [smem:$0x3FA7];
	_ =	sdelay $0x3  }
0x36: {  	p1 =	seq.s32 s10, $0x1;
	s10 =	sld [smem:$0x3FA8];
	_ =	sdelay $0x3  }
0x37: {  	[smem:$0x3FA8] =	sst s10  }
0x38: {  	s10 =	sld [smem:$0x3FA9]  }
0x39: {  	_ = 	snop;
	(pc) =	sbr.ind lr, $3  }
0x3a: {  	_ = 	snop  }
0x3b: {  	_ = 	snop  }
0x3c: {  	p2 =	seq.s32 s10, $0x1;
	s10 =	sld [smem:$0x3FA8]  }
0x3d: {  	_ =	shalt  }
0x3e: {  	_ =	shalt  }
0x3f: {  	_ =	shalt  }
0x40: {  	_ =	shalt  }
0x41: {  	_ =	shalt  }
0x42: {  	_ =	shalt  }
0x43: {  	_ =	shalt  }
0x44: {  	_ =	shalt  }
0x45: {  	_ =	shalt  }
0x46: {  	_ =	shalt  }
0x47: {  	_ =	shalt  }
0x48: {  	_ =	shalt  }
0x49: {  	_ =	shalt  }
0x4a: {  	_ =	shalt  }
0x4b: {  	_ =	shalt  }
0x4c: {  	_ =	shalt  }
0x4d: {  	_ =	shalt  }
0x4e: {  	_ =	shalt  }
0x4f: {  	_ =	shalt  }
0x50: {  	_ =	shalt  }
0x51: {  	_ =	shalt  }
0x52: {  	_ =	shalt  }
0x53: {  	_ =	shalt  }
0x54: {  	_ =	shalt  }
0x55: {  	_ =	shalt  }
0x56: {  	_ =	shalt  }
0x57: {  	_ =	shalt  }
0x58: {  	_ =	shalt  }
0x59: {  	_ =	shalt  }
0x5a: {  	_ =	shalt  }
0x5b: {  	_ =	shalt  }
0x5c: {  	_ =	shalt  }
0x5d: {  	_ =	shalt  }
0x5e: {  	_ =	shalt  }
0x5f: {  	_ =	shalt  }
0x60: {  	_ =	shalt  }
0x61: {  	_ =	shalt  }
0x62: {  	_ =	shalt  }
0x63: {  	_ =	shalt  }
0x64: {  	_ =	shalt  }
0x65: {  	_ =	shalt  }
0x66: {  	_ =	shalt  }
0x67: {  	_ =	shalt  }
0x68: {  	_ =	shalt  }
0x69: {  	_ =	shalt  }
0x6a: {  	_ =	shalt  }
0x6b: {  	_ =	shalt  }
0x6c: {  	_ =	shalt  }
0x6d: {  	_ =	shalt  }
0x6e: {  	_ =	shalt  }
0x6f: {  	_ =	shalt  }
0x70: {  	_ =	shalt  }
0x71: {  	_ =	shalt  }
0x72: {  	_ =	shalt  }
0x73: {  	_ =	shalt  }
0x74: {  	_ =	shalt  }
0x75: {  	_ =	shalt  }
0x76: {  	_ =	shalt  }
0x77: {  	_ =	shalt  }
0x78: {  	_ =	shalt  }
0x79: {  	_ =	shalt  }
0x7a: {  	_ =	shalt  }
0x7b: {  	_ =	shalt  }
0x7c: {  	_ =	shalt  }
0x7d: {  	_ =	shalt  }
0x7e: {  	_ =	shalt  }
0x7f: {  	_ =	shalt  }
0x80: {  	_ =	shalt  }
0x81: {  	_ =	shalt  }
0x82: {  	_ =	shalt  }
0x83: {  	_ =	shalt  }
0x84: {  	_ =	shalt  }
0x85: {  	_ =	shalt  }
0x86: {  	_ =	shalt  }
0x87: {  	_ =	shalt  }
.Lfunc_end0:
.L_simem_size_0:
called_computation_lowered:
.L_overlay_start_0:
0x88: {  	s2 =	sld [smem:$0x3FD9]  }
0x89: {  	s3 =	sld [smem:$0x3FFE];
	_ =	sdelay $0x1  }
0x8a: {  	s1 =	srdreg.scid  }
0x8b: {  	s0 =	sand.u32 $0x1, s1  }
0x8c: {  	s14 =	sshll.u32 s0, $0xA;
	s2 =	sadd.s32 s3, s2  }
0x8d: {  	s2 =	sadd.s32 s2, s14  }
0x8e: {  	[smem:$0x3FB4] =	sst s2  }
0x8f: {  	_ = 	snop  }
0x90: {  	s2 =	sld [smem:$0x3FD0];
	_ =	sdelay $0x2  }
0x91: {  	s4 =	simm.s32 $0xA;
	s5 =	simm.s32 $0x10;
	s15 =	sld [smem:$0x3FB6]  }
0x92: {  	[smem:s5], [sflag:s4] =	dma.local [hbm:s2], $0x1  }
0x93: {  	_ =	swait.eq [sflag:s4], $0x1  }
0x94: {  	[sflag:s4] =	ssyncset.done $0x0  }
0x95: {  	[sflag:s4] =	ssyncadd.s32 $0xFFFFFFFF  }
0x96: {  	s16 =	sld [smem:$0x10];
	(tm) =	ssettm $0x1  }
0x97: {  	s17 =	sld [smem:$0x3FFB];
	_ =	sdelay $0x3  }
0x98: {  	_ =	strace s17  }
0x99: {  	s4 =	sld [smem:$0x3FFC];
	_ =	sdelay $0x3  }
0x9a: {  	_ =	strace s4  }
0x9b: {  	s4 =	sld [smem:$0x3FFD];
	_ =	sdelay $0x3  }
0x9c: {  	_ =	strace s4  }
0x9d: {  	_ =	strace $0x8FFFFFFF  }
0x9e: {  	s18 =	sld [smem:$0x3FDB];
	_ =	sdelay $0x1  }
0x9f: {  	s19 =	simm.s32 $_scs_section_size  }
0xa0: {  	s6 =	simm.s32 $_size__tile_overlayer_lowered;
	s7 =	simm.s32 $_tile_overlayer_lowered  }
0xa1: {  	s22 =	simm.s32 $0x1BFF;
	s21 =	sshll.u32 s7, $0x1;
	s4 =	sadd.s32 s19, s18  }
0xa2: {  	s8 =	simm.s32 $0x0;
	s20 =	sshll.u32 s6, $0x1;
	s6 =	sadd.s32 s21, s4  }
0xa3: {  	[timem:s8], [sflag:s22] =	dma.local [hbm:s6], s20  }
0xa4: {  	_ =	swait.ge [sflag:s22], s20  }
0xa5: {  	s5 =	ssub.s32 $0x0, s20;
	[sflag:s22] =	ssyncset.done $0x0  }
0xa6: {  	[sflag:s22] =	ssyncadd.s32 s5;
	_ =	sdelay $0x1  }
0xa7: {  	s23 =	simm.s32 $0x1B8B  }
0xa8: {  	_ =	swait.ge [sflag:s23], $0x1  }
0xa9: {  	[sflag:s23] =	ssyncset.done $0x0  }
0xaa: {  	s25 =	simm.s32 $0x1B8E;
	s24 =	sld [smem:$0x3FFE];
	[sflag:s23] =	ssyncadd.s32 $0xFFFFFFFF  }
0xab: {  	s26 =	simm.s32 $execute0_lowered;
	[smem:$0x3FD2] =	sst s25  }
0xac: {  	s6 =	sshll.u32 s26, $0x1;
	_ =	strace $0x80000046;
	[dreg:$0x1] =	wrdreg $0xFFFFFFFF  }
0xad: {  	s28 =	simm.s32 $_size_execute0_lowered;
	s4 =	sadd.s32 s4, s6;
	[dreg:$0x0] =	wrdreg $0x0  }
0xae: {  	s6 =	sshll.u32 s28, $0x1;
	[dreg:$0x2] =	wrdreg s4  }
0xaf: {  	[dreg:$0x3] =	wrdreg s6  }
0xb0: {  	[dreg:$0x4] =	wrdreg $0xC0  }
0xb1: {  	_ =	task [dreg:s8], $0x5FFFF  }
0xb2: {  	[dreg:$0x1] =	wrdreg $0xFFFFFFFF  }
0xb3: {  	[dreg:$0x0] =	wrdreg $0x60  }
0xb4: {  	[dreg:$0x2] =	wrdreg s24  }
0xb5: {  	[dreg:$0x3] =	wrdreg s15  }
0xb6: {  	[dreg:$0x4] =	wrdreg s16  }
0xb7: {  	[dreg:$0x5] =	wrdreg $0x9  }
0xb8: {  	_ =	task.clear_ibuf [dreg:s8], $0x6FFFF;
	_ =	strace $0x90000046  }
0xb9: {  	s29 =	simm.s32 $0x9;
	_ =	strace $0x80000048  }
0xba: {  	_ =	swait.ge [sflag:s29], $0x1  }
0xbb: {  	[sflag:s29] =	ssyncadd.s32 $0xFFFFFFFF  }
0xbc: {  	_ =	strace $0x90000048  }
0xbd: {  	_ =	sfence  }
0xbe: {  	s30 =	sld [smem:$0x0];
	_ =	sdelay $0x2  }
0xbf: {  	s31 =	sshll.u32 s1, $0xD;
	s1 =	sshrl.u32 s1, $0x2  }
0xc0: {  	s3 =	sand.u32 $0x4000, s31;
	s1 =	sadd.s32 s1, s30  }
0xc1: {  	s0 =	sor.u32 s3, s0;
	s1 =	sshll.u32 s1, $0x11  }
0xc2: {  	s0 =	sor.u32 s1, s0  }
0xc3: {  	s0 =	sadd.s32 $0x8F2B, s0  }
0xc4: {  	[sflag:s0] =	ssyncadd.remote.s32 $0x1  }
0xc5: {  	_ =	sfence.sel $0xFFFF  }
0xc6: {  	[dreg:$0x0] =	wrdreg $0xFFFFFFFF;
	(pc) =	sbr.abs _section_cstart, $3  }
0xc7: {  	[dreg:$0x1] =	wrdreg $0xFFFFFFFF  }
0xc8: {  	_ =	task.clear_ibuf [dreg:s8], $0x2FFFF;
	_ =	strace $0x9FFFFFFF  }
0xc9: {  	(tm) =	ssettm $0x7FFFFFFF  }
tec
execute0_lowered:
.L_overlay_start_1:
0x0: {  	(tag) =	ssettag $0x1  }
0x1: {  	s3 =	rddreg [dreg:$0x0]  }
0x2: {  	s1 =	srdreg.scid;
	s4 =	rddreg [dreg:$0x1]  }
0x3: {  	s0 =	stileid.u32;
	s6 =	rddreg [dreg:$0x2]  }
0x4: {  	s2 =	simm.s32 $0x0;
	s11 =	simm.s32 $0x1;
	s12 =	simm.s32 $0x0  }
0x5: {  	s5 =	sand.u32 $0x1, s1;
	s7 =	sshll.u32 s0, $0x8;
	s1 =	rddreg [dreg:$0x3]  }
0x6: {  	[smem:$0x7FF] =	sst s2;
	s8 =	sshll.u32 s5, $0x7;
	s5 =	ssub.s32 $0x2, s5  }
0x7: {  	_ =	strace $0x80000047;
	s7 =	sor.u32 s8, s7;
	s10 =	sshrl.u32 s5, $0x1  }
0x8: {  	s8 =	sshll.u32 s7, $0x4;
	s10 =	ssub.s32 s5, s10;
	s31 =	sshrl.u32 s7, $0x3  }
0x9: {  	s9 =	sadd.s32 s8, s3;
	s3 =	sadd.s32 $0x12C00, s3;
	s4 =	sadd.s32 s4, s31  }
0xa: {  	s6 =	sadd.s32 s6, s8;
	s7 =	smax.u32 s10, $0x1;
	s8 =	simm.s32 $0x2  }
0xb: {  	s10 =	simm.s32 $0x4080;
	s5 =	sadd.s32 $0x2C00, s9;
	s9 =	simm.s32 $0x80  }
.LBB2_1:
0xc: {  	[tilespmem:s2], [sflag:$0x2] =	stream.linear.gather [hbm4b:s4+s2], $0x80, $0x38;
	[tilespmem:$0x8080] =	vst v63  }
0xd: {  	_ =	swait.ge [sflag:s8], $0x80  }
0xe: {  	[sflag:s8] =	ssyncset.done $0x0  }
0xf: {  	[sflag:s8] =	ssyncadd.s32 $0xFFFFFF80  }
0x10: {  	[tilespmem:s9], [sflag:$0x1] =	stream.indirect.gather [hbm4b:s3+s9], $0x80, s2, s9, $0xb8;
	[tilespmem:$0x8080] =	vst v63  }
0x11: {  	_ = 	snop  }
0x12: {  	[tilespmem:s10], [sflag:$0x2] =	stream.linear.gather [hbm4b:s5+s2], $0x4000, $0x38;
	[tilespmem:$0x8080] =	vst v63  }
0x13: {  	_ =	swait.ge [sflag:s8], $0x4000  }
0x14: {  	[sflag:s8] =	ssyncset.done $0x0  }
0x15: {  	[sflag:s8] =	ssyncadd.s32 $0xFFFFC000  }
0x16: {  	_ =	swait.ge [sflag:s11], $0x4000  }
0x17: {  	[sflag:s11] =	ssyncset.done $0x0  }
0x18: {  	s13 =	simm.s32 $0x0;
	[sflag:s11] =	ssyncadd.s32 $0xFFFFC000  }
0x19: {  	v7 =	vld [tilespmem:s13+$0x4080]  }
0x1a: {  	v11 =	vld [tilespmem:s13+$0x4090]  }
0x1b: {  	v5 =	vld [tilespmem:s13+$0x40A0]  }
0x1c: {  	v4 =	vld [tilespmem:s13+$0x40B0]  }
0x1d: {  	v3 =	vld [tilespmem:s13+$0x40C0]  }
0x1e: {  	v2 =	vld [tilespmem:s13+$0x40D0]  }
0x1f: {  	v1 =	vld [tilespmem:s13+$0x40E0]  }
0x20: {  	v0 =	vld [tilespmem:s13+$0x40F0]  }
0x21: {  	v12 =	vld [tilespmem:s13+$0x80]  }
0x22: {  	v13 =	vld [tilespmem:s13+$0x90]  }
0x23: {  	v10 =	vld [tilespmem:s13+$0xA0]  }
0x24: {  	v9 =	vld [tilespmem:s13+$0xB0]  }
0x25: {  	v8 =	vld [tilespmem:s13+$0xC0]  }
0x26: {  	v6 =	vld [tilespmem:s13+$0xD0];
	v12 =	vadd.f32 v7, v12  }
0x27: {  	s14 =	simm.s32 $0x200;
	v11 =	vadd.f32 v11, v13;
	v7 =	vld [tilespmem:s13+$0xE0]  }
.LBB2_2:
0x28: {  	s15 =	sshra.s32 s14, $0x2;
	p0 =	sne.s32 s14, $0xFE00;
	[tilespmem:s13+$0x80] =	vst v12;
	v5 =	vadd.f32 v5, v10;
	v10 =	vld [tilespmem:s13+$0xF0]  }
0x29: {  	v12 =	vld [tilespmem:s15+$0x4080];
	[tilespmem:s13+$0x90] =	vst v11;
	v4 =	vadd.f32 v4, v9  }
0x2a: {  	v11 =	vld [tilespmem:s15+$0x4090];
	[tilespmem:s13+$0xA0] =	vst v5;
	v3 =	vadd.f32 v3, v8  }
0x2b: {  	v5 =	vld [tilespmem:s15+$0x40A0];
	[tilespmem:s13+$0xB0] =	vst v4;
	v2 =	vadd.f32 v2, v6  }
0x2c: {  	v4 =	vld [tilespmem:s15+$0x40B0];
	[tilespmem:s13+$0xC0] =	vst v3;
	v1 =	vadd.f32 v1, v7  }
0x2d: {  	v3 =	vld [tilespmem:s15+$0x40C0];
	[tilespmem:s13+$0xD0] =	vst v2;
	v0 =	vadd.f32 v0, v10  }
0x2e: {  	v2 =	vld [tilespmem:s15+$0x40D0];
	[tilespmem:s13+$0xE0] =	vst v1  }
0x2f: {  	v1 =	vld [tilespmem:s15+$0x40E0];
	[tilespmem:s13+$0xF0] =	vst v0;
	s13 =	smov.u32 s15  }
0x30: {  	v0 =	vld [tilespmem:s13+$0x40F0]  }
0x31: {  	v6 =	vld [tilespmem:s13+$0x80]  }
0x32: {  	v7 =	vld [tilespmem:s13+$0x90]  }
.Ltmp0:
0x33: {  	v10 =	vld [tilespmem:s13+$0xA0];
	(pc) =	sbr.rel @p0 .LBB2_2-.Ltmp0, $4  }
0x34: {  	v9 =	vld [tilespmem:s13+$0xB0]  }
0x35: {  	v8 =	vld [tilespmem:s13+$0xC0]  }
0x36: {  	v12 =	vadd.f32 v12, v6;
	v6 =	vld [tilespmem:s13+$0xD0]  }
0x37: {  	s14 =	sadd.s32 $0x200, s14;
	v11 =	vadd.f32 v11, v7;
	v7 =	vld [tilespmem:s13+$0xE0]  }
0x38: {  	[tilespmem:s13+$0x80] =	vst v12;
	v5 =	vadd.f32 v5, v10;
	v63 =	vld [tilespmem:s13+$0xF0]  }
0x39: {  	[tilespmem:s13+$0x90] =	vst v11;
	v4 =	vadd.f32 v4, v9  }
0x3a: {  	[tilespmem:s13+$0xA0] =	vst v5;
	v3 =	vadd.f32 v3, v8  }
0x3b: {  	[tilespmem:s13+$0xB0] =	vst v4;
	v2 =	vadd.f32 v2, v6  }
0x3c: {  	[tilespmem:s13+$0xC0] =	vst v3;
	v1 =	vadd.f32 v1, v7  }
0x3d: {  	s12 =	sadd.s32 $0x1, s12;
	[tilespmem:s13+$0xD0] =	vst v2;
	v0 =	vadd.f32 v0, v63  }
0x3e: {  	p0 =	sne.s32 s12, s7;
	[tilespmem:s13+$0xE0] =	vst v1  }
.Ltmp1:
0x3f: {  	[tilespmem:s13+$0xF0] =	vst v0;
	(pc) =	sbr.rel @p0 .LBB2_1-.Ltmp1, $4  }
0x40: {  	[hbm4b:s6+s2] =	stream.linear.scatter [tilespmem:s9], [sflag:$0x2], $0x4000, $0x38;
	[tilespmem:$0x8080] =	vst v63  }
0x41: {  	_ =	swait.ge [sflag:s8], $0x4000  }
0x42: {  	[sflag:s8] =	ssyncset.done $0x0  }
0x43: {  	[sflag:s8] =	ssyncadd.s32 $0xFFFFC000  }
0x44: {  	_ =	sfence.sel $0x180000  }
0x45: {  	[bflag:$0x0] =	sbarrier.arrive $0xFFFF  }
0x46: {  	p0 =	sne.s32 s0, $0x0;
	_ =	strace $0x90000047  }
0x47: {  	s0 =	sadd.s32 @!p0 $0x100000, s1;
	[bflag:$0x2] =	sbarrier.arrive $0xFFFF  }
0x48: {  	[sflag:s0] =	ssyncadd.tile.s32 @!p0 $0x1;
	_ =	shalt  }
.Lfunc_end2:
_tile_overlayer_lowered:
.L_overlay_start_2:
0x49: {  	(tag) =	ssettag $0x2  }
0x4a: {  	s0 =	rddreg [dreg:$0x0];
	s2 =	stileid.u32  }
0x4b: {  	s1 =	rddreg [dreg:$0x1];
	p0 =	sne.s32 s2, $0x0  }
0x4c: {  	s3 =	rddreg [dreg:$0x2];
	[bflag:$0x3] =	sbarrier.arrive $0xFFFF;
	s2 =	simm.s32 @!p0 $0x1C02  }
0x4d: {  	[timem:s3], [sflag:s2] =	dma.local @!p0 [hbm:s0], s1  }
0x4e: {  	s0 =	simm.s32 @!p0 $0x2  }
0x4f: {  	_ =	swait.ge @!p0 [sflag:s0], s1  }
0x50: {  	s1 =	ssub.s32 @!p0 $0x0, s1;
	[sflag:s0] =	ssyncset.done @!p0 $0x0  }
0x51: {  	[sflag:s0] =	ssyncadd.s32 @!p0 s1  }
0x52: {  	[bflag:$0x3] =	sbarrier.arrive $0xFFFF  }
0x53: {  	_ =	shalt  }

</sc_bundles>
